<compile_context>
chip_gen: v7x
topology: tpu7x:2x2x1
jax: 0.10.2.dev20260603
libtpu: 0.0.44.dev20260713+nightly
codegen_flags: <defaults>
</compile_context>

<pallas_src>
import jax
import jax.numpy as jnp
from jax import lax
from jax.experimental import pallas as pl
from jax.experimental.pallas import tpu as pltpu
from jax.experimental.pallas import tpu_sc as plsc

_NC = 2
_NS = 16
_NW = _NC * _NS
_C = 32
_LANES = 16


def _make_sc_add(B, S, D):
    s_per_w = S // _NW
    n_chunks = s_per_w // _C
    total = n_chunks * B
    assert S % _NW == 0 and s_per_w % _C == 0 and D % _LANES == 0
    mesh = plsc.VectorSubcoreMesh(
        core_axis_name="c", subcore_axis_name="s",
        num_cores=_NC, num_subcores=_NS,
    )

    def body(x_hbm, pos_hbm, out_hbm, X3, P2, sem_x, sem_p, sem_o):
        wid = lax.axis_index("s") * _NC + lax.axis_index("c")
        sbase = wid * s_per_w

        def start_p(i):
            return pltpu.async_copy(
                pos_hbm.at[pl.ds(sbase + i * _C, _C)], P2.at[i % 2], sem_p)

        def row0(step):
            i = step // B
            b = step - i * B
            return b * S + sbase + i * _C

        def start_x(step):
            return pltpu.async_copy(
                x_hbm.at[pl.ds(row0(step), _C)], X3.at[step % 3], sem_x)

        def wait_x():
            pltpu.make_async_copy(
                x_hbm.at[pl.ds(0, _C)], X3.at[0], sem_x).wait()

        def wait_p():
            pltpu.make_async_copy(
                pos_hbm.at[pl.ds(0, _C)], P2.at[0], sem_p).wait()

        def wait_o():
            pltpu.make_async_copy(
                X3.at[0], out_hbm.at[pl.ds(0, _C)], sem_o).wait()

        start_p(0)
        start_x(0)
        start_x(1)

        @pl.loop(0, total, unroll=2)
        def stepbody(step):
            i = step // B
            b = step - i * B

            @pl.when(step >= 2)
            def _():
                wait_o()

            @pl.when(step + 2 < total)
            def _():
                start_x(step + 2)

            @pl.when(jnp.logical_and(b == 0, i + 1 < n_chunks))
            def _():
                start_p(i + 1)

            @pl.when(b == 0)
            def _():
                wait_p()

            wait_x()
            Xc = X3.at[step % 3]
            Pc = P2.at[i % 2]

            @plsc.parallel_loop(0, _C * D, _LANES, unroll=8)
            def addbody(j):
                r = j // D
                c = j - r * D
                plsc.addupdate(
                    Xc.at[r, pl.ds(c, _LANES)], Pc[r, pl.ds(c, _LANES)])

            pltpu.async_copy(Xc, out_hbm.at[pl.ds(row0(step), _C)], sem_o)

        wait_o()
        wait_o()

    return pl.kernel(
        body,
        out_type=jax.ShapeDtypeStruct((B * S, D), jnp.float32),
        mesh=mesh,
        scratch_types=(
            [pltpu.VMEM((3, _C, D), jnp.float32),
             pltpu.VMEM((2, _C, D), jnp.float32)]
            + [pltpu.SemaphoreType.DMA] * 3
        ),
    )


def kernel(x, pos_table):
    B, S, D = x.shape
    out = _make_sc_add(B, S, D)(x.reshape(B * S, D), pos_table)
    return out.reshape(B, S, D)

# --- scband reference (transcript-rebuilt; emitter-appended) ---
"""Pipeline reference for scband-positional-encoding-11261404250573 (READ-ONLY COPY).

The authoritative reference and input builder live on the scoring server;
editing this copy changes nothing except your own understanding.
"""

import jax, jax.numpy as jnp
import numpy as np

D_MODEL = 768
MAX_LEN = 8192
BATCH = 4
SEQ_LEN = 8192

def setup_inputs(seed: int = 0) -> dict:
    key = jax.random.key(seed)
    k1, k2 = jax.random.split(key)
    x = jax.random.normal(k1, (BATCH, SEQ_LEN, D_MODEL), dtype=jnp.float32)
    pos_table = jax.random.normal(k2, (MAX_LEN, D_MODEL), dtype=jnp.float32) * 0.02
    return {"x": x, "pos_table": pos_table}

def reference(x, pos_table):
    batch_size, seq_len, d_model = x.shape
    positions = jnp.arange(0, seq_len)[None, :]  # [1, seq_len]
    pos_encodings = jnp.take(pos_table, positions, axis=0)  # [1, seq_len, d_model]
    return x + pos_encodings

if __name__ == "__main__":
    import jax
    _d = setup_inputs()
    print(jax.jit(kernel)(*tuple(_d.values())))

</pallas_src>

<mosaic_0001>
#map = affine_map<(d0, d1) -> (0, 0)>
module attributes {stable_mosaic.version = 14 : i64} {
  func.func @body(%arg0: i32, %arg1: i32, %arg2: memref<32768x768xf32, #tpu.memory_space<hbm>>, %arg3: memref<8192x768xf32, #tpu.memory_space<hbm>>, %arg4: memref<32768x768xf32, #tpu.memory_space<hbm>>, %arg5: memref<3x32x768xf32, #tpu.memory_space<vmem>>, %arg6: memref<2x32x768xf32, #tpu.memory_space<vmem>>, %arg7: memref<!tpu.dma_semaphore, #tpu.memory_space<semaphore_mem>>, %arg8: memref<!tpu.dma_semaphore, #tpu.memory_space<semaphore_mem>>, %arg9: memref<!tpu.dma_semaphore, #tpu.memory_space<semaphore_mem>>) attributes {dimension_semantics = [#tpu.dimension_semantics<core_parallel>, #tpu.dimension_semantics<subcore_parallel>], iteration_bounds = array<i64: 2, 16>, scalar_prefetch = 0 : i64, scratch_operands = 5 : i64, tpu.core_type = #tpu.core_type<sc_vector_subcore>, window_params = [{transform_indices = #map}, {transform_indices = #map}, {transform_indices = #map}]} {
    %mul3A = arith.constant 2 : i32
    %mul3A_0 = arith.muli %arg1, %mul3A : i32
    %add3A = arith.addi %mul3A_0, %arg0 : i32
    %mul3A_1 = arith.constant 256 : i32
    %mul3A_2 = arith.muli %add3A, %mul3A_1 : i32
    %add3A_3 = arith.constant 0 : i32
    %add3A_4 = arith.addi %mul3A_2, %add3A_3 : i32
    %dma_start3A = arith.constant 0 : i32
    %dma_start3A_5 = arith.constant 0 : i32
    %dma_start3A_6 = arith.constant 0 : i32
    %dma_start3A_7 = tpu.memref_slice %arg6[%dma_start3A, %dma_start3A_5, %dma_start3A_6] : memref<2x32x768xf32, #tpu.memory_space<vmem>> -> memref<1x32x768xf32, #tpu.memory_space<vmem>>
    %dma_start3A_8 = tpu.memref_squeeze %dma_start3A_7 : memref<1x32x768xf32, #tpu.memory_space<vmem>> -> memref<32x768xf32, #tpu.memory_space<vmem>>
    %dma_start3A_9 = arith.constant 0 : i32
    %dma_start3A_10 = tpu.memref_slice %arg3[%add3A_4, %dma_start3A_9] : memref<8192x768xf32, #tpu.memory_space<hbm>> -> memref<32x768xf32, #tpu.memory_space<hbm>>
    %dma_start3A_11 = arith.constant 0 : i32
    %dma_start3A_12 = arith.constant 0 : i32
    %dma_start3A_13 = tpu.memref_slice %arg6[%dma_start3A, %dma_start3A_11, %dma_start3A_12] : memref<2x32x768xf32, #tpu.memory_space<vmem>> -> memref<1x32x768xf32, #tpu.memory_space<vmem>>
    %dma_start3A_14 = tpu.memref_squeeze %dma_start3A_13 : memref<1x32x768xf32, #tpu.memory_space<vmem>> -> memref<32x768xf32, #tpu.memory_space<vmem>>
    %dma_start3A_15 = arith.constant 0 : i32
    %dma_start3A_16 = tpu.memref_slice %arg3[%add3A_4, %dma_start3A_15] : memref<8192x768xf32, #tpu.memory_space<hbm>> -> memref<32x768xf32, #tpu.memory_space<hbm>>
    tpu.enqueue_dma source(%dma_start3A_16 : memref<32x768xf32, #tpu.memory_space<hbm>>) target(%dma_start3A_14 : memref<32x768xf32, #tpu.memory_space<vmem>>) target_semaphore(%arg8 : memref<!tpu.dma_semaphore, #tpu.memory_space<semaphore_mem>>)
    %add3A_17 = arith.constant 0 : i32
    %add3A_18 = arith.addi %add3A_17, %mul3A_2 : i32
    %add3A_19 = arith.constant 0 : i32
    %add3A_20 = arith.addi %add3A_18, %add3A_19 : i32
    %dma_start3A_21 = arith.constant 0 : i32
    %dma_start3A_22 = arith.constant 0 : i32
    %dma_start3A_23 = arith.constant 0 : i32
    %dma_start3A_24 = tpu.memref_slice %arg5[%dma_start3A_21, %dma_start3A_22, %dma_start3A_23] : memref<3x32x768xf32, #tpu.memory_space<vmem>> -> memref<1x32x768xf32, #tpu.memory_space<vmem>>
    %dma_start3A_25 = tpu.memref_squeeze %dma_start3A_24 : memref<1x32x768xf32, #tpu.memory_space<vmem>> -> memref<32x768xf32, #tpu.memory_space<vmem>>
    %dma_start3A_26 = arith.constant 0 : i32
    %dma_start3A_27 = tpu.memref_slice %arg2[%add3A_20, %dma_start3A_26] : memref<32768x768xf32, #tpu.memory_space<hbm>> -> memref<32x768xf32, #tpu.memory_space<hbm>>
    %dma_start3A_28 = arith.constant 0 : i32
    %dma_start3A_29 = arith.constant 0 : i32
    %dma_start3A_30 = tpu.memref_slice %arg5[%dma_start3A_21, %dma_start3A_28, %dma_start3A_29] : memref<3x32x768xf32, #tpu.memory_space<vmem>> -> memref<1x32x768xf32, #tpu.memory_space<vmem>>
    %dma_start3A_31 = tpu.memref_squeeze %dma_start3A_30 : memref<1x32x768xf32, #tpu.memory_space<vmem>> -> memref<32x768xf32, #tpu.memory_space<vmem>>
    %dma_start3A_32 = arith.constant 0 : i32
    %dma_start3A_33 = tpu.memref_slice %arg2[%add3A_20, %dma_start3A_32] : memref<32768x768xf32, #tpu.memory_space<hbm>> -> memref<32x768xf32, #tpu.memory_space<hbm>>
    tpu.enqueue_dma source(%dma_start3A_33 : memref<32x768xf32, #tpu.memory_space<hbm>>) target(%dma_start3A_31 : memref<32x768xf32, #tpu.memory_space<vmem>>) target_semaphore(%arg7 : memref<!tpu.dma_semaphore, #tpu.memory_space<semaphore_mem>>)
    %add3A_34 = arith.constant 8192 : i32
    %add3A_35 = arith.addi %add3A_34, %mul3A_2 : i32
    %add3A_36 = arith.constant 0 : i32
    %add3A_37 = arith.addi %add3A_35, %add3A_36 : i32
    %dma_start3A_38 = arith.constant 1 : i32
    %dma_start3A_39 = arith.constant 0 : i32
    %dma_start3A_40 = arith.constant 0 : i32
    %dma_start3A_41 = tpu.memref_slice %arg5[%dma_start3A_38, %dma_start3A_39, %dma_start3A_40] : memref<3x32x768xf32, #tpu.memory_space<vmem>> -> memref<1x32x768xf32, #tpu.memory_space<vmem>>
    %dma_start3A_42 = tpu.memref_squeeze %dma_start3A_41 : memref<1x32x768xf32, #tpu.memory_space<vmem>> -> memref<32x768xf32, #tpu.memory_space<vmem>>
    %dma_start3A_43 = arith.constant 0 : i32
    %dma_start3A_44 = tpu.memref_slice %arg2[%add3A_37, %dma_start3A_43] : memref<32768x768xf32, #tpu.memory_space<hbm>> -> memref<32x768xf32, #tpu.memory_space<hbm>>
    %dma_start3A_45 = arith.constant 0 : i32
    %dma_start3A_46 = arith.constant 0 : i32
    %dma_start3A_47 = tpu.memref_slice %arg5[%dma_start3A_38, %dma_start3A_45, %dma_start3A_46] : memref<3x32x768xf32, #tpu.memory_space<vmem>> -> memref<1x32x768xf32, #tpu.memory_space<vmem>>
    %dma_start3A_48 = tpu.memref_squeeze %dma_start3A_47 : memref<1x32x768xf32, #tpu.memory_space<vmem>> -> memref<32x768xf32, #tpu.memory_space<vmem>>
    %dma_start3A_49 = arith.constant 0 : i32
    %dma_start3A_50 = tpu.memref_slice %arg2[%add3A_37, %dma_start3A_49] : memref<32768x768xf32, #tpu.memory_space<hbm>> -> memref<32x768xf32, #tpu.memory_space<hbm>>
    tpu.enqueue_dma source(%dma_start3A_50 : memref<32x768xf32, #tpu.memory_space<hbm>>) target(%dma_start3A_48 : memref<32x768xf32, #tpu.memory_space<vmem>>) target_semaphore(%arg7 : memref<!tpu.dma_semaphore, #tpu.memory_space<semaphore_mem>>)
    %scan3A = arith.constant 0 : i32
    %scan3A_51 = arith.constant 32 : i32
    %scan3A_52 = arith.addi %scan3A, %scan3A_51 : i32
    %scan3A_53 = arith.constant 2 : i32
    scf.for %scan3A_84 = %scan3A to %scan3A_52 step %scan3A_53  : i32 {
      %mul3A_85 = arith.constant 1 : i32
      %mul3A_86 = arith.muli %scan3A_84, %mul3A_85 : i32
      %add3A_87 = arith.constant 0 : i32
      %add3A_88 = arith.addi %add3A_87, %mul3A_86 : i32
      %jit3A = arith.constant 4 : i32
      %div3A = arith.divsi %add3A_88, %jit3A : i32
      %sign3A = arith.constant 0 : i32
      %sign3A_89 = arith.cmpi sgt, %add3A_88, %sign3A : i32
      %sign3A_90 = arith.extui %sign3A_89 : i1 to i32
      %sign3A_91 = arith.constant 0 : i32
      %sign3A_92 = arith.cmpi slt, %add3A_88, %sign3A_91 : i32
      %sign3A_93 = arith.extui %sign3A_92 : i1 to i32
      %sign3A_94 = arith.subi %sign3A_90, %sign3A_93 : i32
      %sign3A_95 = arith.constant 0 : i32
      %sign3A_96 = arith.cmpi sgt, %jit3A, %sign3A_95 : i32
      %sign3A_97 = arith.extui %sign3A_96 : i1 to i32
      %sign3A_98 = arith.constant 0 : i32
      %sign3A_99 = arith.cmpi slt, %jit3A, %sign3A_98 : i32
      %sign3A_100 = arith.extui %sign3A_99 : i1 to i32
      %sign3A_101 = arith.subi %sign3A_97, %sign3A_100 : i32
      %ne3A = arith.cmpi ne, %sign3A_94, %sign3A_101 : i32
      %rem3A = arith.remsi %add3A_88, %jit3A : i32
      %ne3A_102 = arith.constant 0 : i32
      %ne3A_103 = arith.cmpi ne, %rem3A, %ne3A_102 : i32
      %and3A = arith.andi %ne3A, %ne3A_103 : i1
      %sub3A = arith.constant 1 : i32
      %sub3A_104 = arith.subi %div3A, %sub3A : i32
      %select_n3A = arith.select %and3A, %sub3A_104, %div3A : i32
      %mul3A_105 = arith.constant 4 : i32
      %mul3A_106 = arith.muli %select_n3A, %mul3A_105 : i32
      %sub3A_107 = arith.subi %add3A_88, %mul3A_106 : i32
      %ge3A = arith.constant 2 : i32
      %ge3A_108 = arith.cmpi sge, %add3A_88, %ge3A : i32
      %convert_element_type3A = arith.extui %ge3A_108 : i1 to i32
      %cond3A = arith.constant 0 : i32
      %cond3A_109 = arith.cmpi ne, %convert_element_type3A, %cond3A : i32
      scf.if %cond3A_109 {
        %dma_wait3A_379 = arith.constant 0 : i32
        %dma_wait3A_380 = arith.constant 0 : i32
        %dma_wait3A_381 = arith.constant 0 : i32
        %dma_wait3A_382 = tpu.memref_slice %arg5[%dma_wait3A_379, %dma_wait3A_380, %dma_wait3A_381] : memref<3x32x768xf32, #tpu.memory_space<vmem>> -> memref<1x32x768xf32, #tpu.memory_space<vmem>>
        %dma_wait3A_383 = tpu.memref_squeeze %dma_wait3A_382 : memref<1x32x768xf32, #tpu.memory_space<vmem>> -> memref<32x768xf32, #tpu.memory_space<vmem>>
        %dma_wait3A_384 = arith.constant 0 : i32
        %dma_wait3A_385 = arith.constant 0 : i32
        %dma_wait3A_386 = tpu.memref_slice %arg4[%dma_wait3A_384, %dma_wait3A_385] : memref<32768x768xf32, #tpu.memory_space<hbm>> -> memref<32x768xf32, #tpu.memory_space<hbm>>
        %dma_wait3A_387 = arith.constant 0 : i32
        %dma_wait3A_388 = arith.constant 0 : i32
        %dma_wait3A_389 = tpu.memref_slice %arg4[%dma_wait3A_387, %dma_wait3A_388] : memref<32768x768xf32, #tpu.memory_space<hbm>> -> memref<32x768xf32, #tpu.memory_space<hbm>>
        %dma_wait3A_390 = arith.constant 0 : i32
        %dma_wait3A_391 = arith.constant 0 : i32
        %dma_wait3A_392 = tpu.memref_slice %arg5[%dma_wait3A_379, %dma_wait3A_390, %dma_wait3A_391] : memref<3x32x768xf32, #tpu.memory_space<vmem>> -> memref<1x32x768xf32, #tpu.memory_space<vmem>>
        %dma_wait3A_393 = tpu.memref_squeeze %dma_wait3A_392 : memref<1x32x768xf32, #tpu.memory_space<vmem>> -> memref<32x768xf32, #tpu.memory_space<vmem>>
        tpu.wait_dma2 semaphore(%arg9 : memref<!tpu.dma_semaphore, #tpu.memory_space<semaphore_mem>>) src(%dma_wait3A_393 : memref<32x768xf32, #tpu.memory_space<vmem>>) dst(%dma_wait3A_389 : memref<32x768xf32, #tpu.memory_space<hbm>>)
      } else {
      }
      %add3A_110 = arith.constant 2 : i32
      %add3A_111 = arith.addi %add3A_88, %add3A_110 : i32
      %lt3A = arith.constant 32 : i32
      %lt3A_112 = arith.cmpi slt, %add3A_111, %lt3A : i32
      %convert_element_type3A_113 = arith.extui %lt3A_112 : i1 to i32
      %cond3A_114 = arith.constant 0 : i32
      %cond3A_115 = arith.cmpi ne, %convert_element_type3A_113, %cond3A_114 : i32
      scf.if %cond3A_115 {
        %add3A_379 = arith.constant 2 : i32
        %add3A_380 = arith.addi %add3A_88, %add3A_379 : i32
        %jit3A_381 = arith.constant 4 : i32
        %div3A_382 = arith.divsi %add3A_380, %jit3A_381 : i32
        %sign3A_383 = arith.constant 0 : i32
        %sign3A_384 = arith.cmpi sgt, %add3A_380, %sign3A_383 : i32
        %sign3A_385 = arith.extui %sign3A_384 : i1 to i32
        %sign3A_386 = arith.constant 0 : i32
        %sign3A_387 = arith.cmpi slt, %add3A_380, %sign3A_386 : i32
        %sign3A_388 = arith.extui %sign3A_387 : i1 to i32
        %sign3A_389 = arith.subi %sign3A_385, %sign3A_388 : i32
        %sign3A_390 = arith.constant 0 : i32
        %sign3A_391 = arith.cmpi sgt, %jit3A_381, %sign3A_390 : i32
        %sign3A_392 = arith.extui %sign3A_391 : i1 to i32
        %sign3A_393 = arith.constant 0 : i32
        %sign3A_394 = arith.cmpi slt, %jit3A_381, %sign3A_393 : i32
        %sign3A_395 = arith.extui %sign3A_394 : i1 to i32
        %sign3A_396 = arith.subi %sign3A_392, %sign3A_395 : i32
        %ne3A_397 = arith.cmpi ne, %sign3A_389, %sign3A_396 : i32
        %rem3A_398 = arith.remsi %add3A_380, %jit3A_381 : i32
        %ne3A_399 = arith.constant 0 : i32
        %ne3A_400 = arith.cmpi ne, %rem3A_398, %ne3A_399 : i32
        %and3A_401 = arith.andi %ne3A_397, %ne3A_400 : i1
        %sub3A_402 = arith.constant 1 : i32
        %sub3A_403 = arith.subi %div3A_382, %sub3A_402 : i32
        %select_n3A_404 = arith.select %and3A_401, %sub3A_403, %div3A_382 : i32
        %mul3A_405 = arith.constant 4 : i32
        %mul3A_406 = arith.muli %select_n3A_404, %mul3A_405 : i32
        %sub3A_407 = arith.subi %add3A_380, %mul3A_406 : i32
        %mul3A_408 = arith.constant 8192 : i32
        %mul3A_409 = arith.muli %sub3A_407, %mul3A_408 : i32
        %add3A_410 = arith.addi %mul3A_409, %mul3A_2 : i32
        %mul3A_411 = arith.constant 32 : i32
        %mul3A_412 = arith.muli %select_n3A_404, %mul3A_411 : i32
        %add3A_413 = arith.addi %add3A_410, %mul3A_412 : i32
        %jit3A_414 = arith.constant 3 : i32
        %eq3A_415 = arith.constant 0 : i32
        %eq3A_416 = arith.cmpi eq, %jit3A_414, %eq3A_415 : i32
        %jit3A_417 = arith.constant 1 : i32
        %select_n3A_418 = arith.select %eq3A_416, %jit3A_417, %jit3A_414 : i32
        %rem3A_419 = arith.remsi %add3A_380, %select_n3A_418 : i32
        %ne3A_420 = arith.constant 0 : i32
        %ne3A_421 = arith.cmpi ne, %rem3A_419, %ne3A_420 : i32
        %lt3A_422 = arith.constant 0 : i32
        %lt3A_423 = arith.cmpi slt, %rem3A_419, %lt3A_422 : i32
        %lt3A_424 = arith.constant 0 : i32
        %lt3A_425 = arith.cmpi slt, %select_n3A_418, %lt3A_424 : i32
        %ne3A_426 = arith.xori %lt3A_423, %lt3A_425 : i1
        %and3A_427 = arith.andi %ne3A_426, %ne3A_421 : i1
        %add3A_428 = arith.addi %rem3A_419, %select_n3A_418 : i32
        %select_n3A_429 = arith.select %and3A_427, %add3A_428, %rem3A_419 : i32
        %dma_start3A_430 = arith.constant 0 : i32
        %dma_start3A_431 = arith.constant 0 : i32
        %dma_start3A_432 = tpu.memref_slice %arg5[%select_n3A_429, %dma_start3A_430, %dma_start3A_431] : memref<3x32x768xf32, #tpu.memory_space<vmem>> -> memref<1x32x768xf32, #tpu.memory_space<vmem>>
        %dma_start3A_433 = tpu.memref_squeeze %dma_start3A_432 : memref<1x32x768xf32, #tpu.memory_space<vmem>> -> memref<32x768xf32, #tpu.memory_space<vmem>>
        %dma_start3A_434 = arith.constant 0 : i32
        %dma_start3A_435 = tpu.memref_slice %arg2[%add3A_413, %dma_start3A_434] : memref<32768x768xf32, #tpu.memory_space<hbm>> -> memref<32x768xf32, #tpu.memory_space<hbm>>
        %dma_start3A_436 = arith.constant 0 : i32
        %dma_start3A_437 = arith.constant 0 : i32
        %dma_start3A_438 = tpu.memref_slice %arg5[%select_n3A_429, %dma_start3A_436, %dma_start3A_437] : memref<3x32x768xf32, #tpu.memory_space<vmem>> -> memref<1x32x768xf32, #tpu.memory_space<vmem>>
        %dma_start3A_439 = tpu.memref_squeeze %dma_start3A_438 : memref<1x32x768xf32, #tpu.memory_space<vmem>> -> memref<32x768xf32, #tpu.memory_space<vmem>>
        %dma_start3A_440 = arith.constant 0 : i32
        %dma_start3A_441 = tpu.memref_slice %arg2[%add3A_413, %dma_start3A_440] : memref<32768x768xf32, #tpu.memory_space<hbm>> -> memref<32x768xf32, #tpu.memory_space<hbm>>
        tpu.enqueue_dma source(%dma_start3A_441 : memref<32x768xf32, #tpu.memory_space<hbm>>) target(%dma_start3A_439 : memref<32x768xf32, #tpu.memory_space<vmem>>) target_semaphore(%arg7 : memref<!tpu.dma_semaphore, #tpu.memory_space<semaphore_mem>>)
      } else {
      }
      %eq3A = arith.constant 0 : i32
      %eq3A_116 = arith.cmpi eq, %sub3A_107, %eq3A : i32
      %add3A_117 = arith.constant 1 : i32
      %add3A_118 = arith.addi %select_n3A, %add3A_117 : i32
      %lt3A_119 = arith.constant 8 : i32
      %lt3A_120 = arith.cmpi slt, %add3A_118, %lt3A_119 : i32
      %and3A_121 = arith.andi %eq3A_116, %lt3A_120 : i1
      %convert_element_type3A_122 = arith.extui %and3A_121 : i1 to i32
      %cond3A_123 = arith.constant 0 : i32
      %cond3A_124 = arith.cmpi ne, %convert_element_type3A_122, %cond3A_123 : i32
      scf.if %cond3A_124 {
        %add3A_379 = arith.constant 1 : i32
        %add3A_380 = arith.addi %select_n3A, %add3A_379 : i32
        %mul3A_381 = arith.constant 32 : i32
        %mul3A_382 = arith.muli %add3A_380, %mul3A_381 : i32
        %add3A_383 = arith.addi %mul3A_2, %mul3A_382 : i32
        %jit3A_384 = arith.constant 2 : i32
        %eq3A_385 = arith.constant 0 : i32
        %eq3A_386 = arith.cmpi eq, %jit3A_384, %eq3A_385 : i32
        %jit3A_387 = arith.constant 1 : i32
        %select_n3A_388 = arith.select %eq3A_386, %jit3A_387, %jit3A_384 : i32
        %rem3A_389 = arith.remsi %add3A_380, %select_n3A_388 : i32
        %ne3A_390 = arith.constant 0 : i32
        %ne3A_391 = arith.cmpi ne, %rem3A_389, %ne3A_390 : i32
        %lt3A_392 = arith.constant 0 : i32
        %lt3A_393 = arith.cmpi slt, %rem3A_389, %lt3A_392 : i32
        %lt3A_394 = arith.constant 0 : i32
        %lt3A_395 = arith.cmpi slt, %select_n3A_388, %lt3A_394 : i32
        %ne3A_396 = arith.xori %lt3A_393, %lt3A_395 : i1
        %and3A_397 = arith.andi %ne3A_396, %ne3A_391 : i1
        %add3A_398 = arith.addi %rem3A_389, %select_n3A_388 : i32
        %select_n3A_399 = arith.select %and3A_397, %add3A_398, %rem3A_389 : i32
        %dma_start3A_400 = arith.constant 0 : i32
        %dma_start3A_401 = arith.constant 0 : i32
        %dma_start3A_402 = tpu.memref_slice %arg6[%select_n3A_399, %dma_start3A_400, %dma_start3A_401] : memref<2x32x768xf32, #tpu.memory_space<vmem>> -> memref<1x32x768xf32, #tpu.memory_space<vmem>>
        %dma_start3A_403 = tpu.memref_squeeze %dma_start3A_402 : memref<1x32x768xf32, #tpu.memory_space<vmem>> -> memref<32x768xf32, #tpu.memory_space<vmem>>
        %dma_start3A_404 = arith.constant 0 : i32
        %dma_start3A_405 = tpu.memref_slice %arg3[%add3A_383, %dma_start3A_404] : memref<8192x768xf32, #tpu.memory_space<hbm>> -> memref<32x768xf32, #tpu.memory_space<hbm>>
        %dma_start3A_406 = arith.constant 0 : i32
        %dma_start3A_407 = arith.constant 0 : i32
        %dma_start3A_408 = tpu.memref_slice %arg6[%select_n3A_399, %dma_start3A_406, %dma_start3A_407] : memref<2x32x768xf32, #tpu.memory_space<vmem>> -> memref<1x32x768xf32, #tpu.memory_space<vmem>>
        %dma_start3A_409 = tpu.memref_squeeze %dma_start3A_408 : memref<1x32x768xf32, #tpu.memory_space<vmem>> -> memref<32x768xf32, #tpu.memory_space<vmem>>
        %dma_start3A_410 = arith.constant 0 : i32
        %dma_start3A_411 = tpu.memref_slice %arg3[%add3A_383, %dma_start3A_410] : memref<8192x768xf32, #tpu.memory_space<hbm>> -> memref<32x768xf32, #tpu.memory_space<hbm>>
        tpu.enqueue_dma source(%dma_start3A_411 : memref<32x768xf32, #tpu.memory_space<hbm>>) target(%dma_start3A_409 : memref<32x768xf32, #tpu.memory_space<vmem>>) target_semaphore(%arg8 : memref<!tpu.dma_semaphore, #tpu.memory_space<semaphore_mem>>)
      } else {
      }
      %eq3A_125 = arith.constant 0 : i32
      %eq3A_126 = arith.cmpi eq, %sub3A_107, %eq3A_125 : i32
      %convert_element_type3A_127 = arith.extui %eq3A_126 : i1 to i32
      %cond3A_128 = arith.constant 0 : i32
      %cond3A_129 = arith.cmpi ne, %convert_element_type3A_127, %cond3A_128 : i32
      scf.if %cond3A_129 {
        %dma_wait3A_379 = arith.constant 0 : i32
        %dma_wait3A_380 = arith.constant 0 : i32
        %dma_wait3A_381 = arith.constant 0 : i32
        %dma_wait3A_382 = tpu.memref_slice %arg6[%dma_wait3A_379, %dma_wait3A_380, %dma_wait3A_381] : memref<2x32x768xf32, #tpu.memory_space<vmem>> -> memref<1x32x768xf32, #tpu.memory_space<vmem>>
        %dma_wait3A_383 = tpu.memref_squeeze %dma_wait3A_382 : memref<1x32x768xf32, #tpu.memory_space<vmem>> -> memref<32x768xf32, #tpu.memory_space<vmem>>
        %dma_wait3A_384 = arith.constant 0 : i32
        %dma_wait3A_385 = arith.constant 0 : i32
        %dma_wait3A_386 = tpu.memref_slice %arg3[%dma_wait3A_384, %dma_wait3A_385] : memref<8192x768xf32, #tpu.memory_space<hbm>> -> memref<32x768xf32, #tpu.memory_space<hbm>>
        %dma_wait3A_387 = arith.constant 0 : i32
        %dma_wait3A_388 = arith.constant 0 : i32
        %dma_wait3A_389 = tpu.memref_slice %arg6[%dma_wait3A_379, %dma_wait3A_387, %dma_wait3A_388] : memref<2x32x768xf32, #tpu.memory_space<vmem>> -> memref<1x32x768xf32, #tpu.memory_space<vmem>>
        %dma_wait3A_390 = tpu.memref_squeeze %dma_wait3A_389 : memref<1x32x768xf32, #tpu.memory_space<vmem>> -> memref<32x768xf32, #tpu.memory_space<vmem>>
        %dma_wait3A_391 = arith.constant 0 : i32
        %dma_wait3A_392 = arith.constant 0 : i32
        %dma_wait3A_393 = tpu.memref_slice %arg3[%dma_wait3A_391, %dma_wait3A_392] : memref<8192x768xf32, #tpu.memory_space<hbm>> -> memref<32x768xf32, #tpu.memory_space<hbm>>
        tpu.wait_dma2 semaphore(%arg8 : memref<!tpu.dma_semaphore, #tpu.memory_space<semaphore_mem>>) src(%dma_wait3A_393 : memref<32x768xf32, #tpu.memory_space<hbm>>) dst(%dma_wait3A_390 : memref<32x768xf32, #tpu.memory_space<vmem>>)
      } else {
      }
      %dma_wait3A_130 = arith.constant 0 : i32
      %dma_wait3A_131 = arith.constant 0 : i32
      %dma_wait3A_132 = arith.constant 0 : i32
      %dma_wait3A_133 = tpu.memref_slice %arg5[%dma_wait3A_130, %dma_wait3A_131, %dma_wait3A_132] : memref<3x32x768xf32, #tpu.memory_space<vmem>> -> memref<1x32x768xf32, #tpu.memory_space<vmem>>
      %dma_wait3A_134 = tpu.memref_squeeze %dma_wait3A_133 : memref<1x32x768xf32, #tpu.memory_space<vmem>> -> memref<32x768xf32, #tpu.memory_space<vmem>>
      %dma_wait3A_135 = arith.constant 0 : i32
      %dma_wait3A_136 = arith.constant 0 : i32
      %dma_wait3A_137 = tpu.memref_slice %arg2[%dma_wait3A_135, %dma_wait3A_136] : memref<32768x768xf32, #tpu.memory_space<hbm>> -> memref<32x768xf32, #tpu.memory_space<hbm>>
      %dma_wait3A_138 = arith.constant 0 : i32
      %dma_wait3A_139 = arith.constant 0 : i32
      %dma_wait3A_140 = tpu.memref_slice %arg5[%dma_wait3A_130, %dma_wait3A_138, %dma_wait3A_139] : memref<3x32x768xf32, #tpu.memory_space<vmem>> -> memref<1x32x768xf32, #tpu.memory_space<vmem>>
      %dma_wait3A_141 = tpu.memref_squeeze %dma_wait3A_140 : memref<1x32x768xf32, #tpu.memory_space<vmem>> -> memref<32x768xf32, #tpu.memory_space<vmem>>
      %dma_wait3A_142 = arith.constant 0 : i32
      %dma_wait3A_143 = arith.constant 0 : i32
      %dma_wait3A_144 = tpu.memref_slice %arg2[%dma_wait3A_142, %dma_wait3A_143] : memref<32768x768xf32, #tpu.memory_space<hbm>> -> memref<32x768xf32, #tpu.memory_space<hbm>>
      tpu.wait_dma2 semaphore(%arg7 : memref<!tpu.dma_semaphore, #tpu.memory_space<semaphore_mem>>) src(%dma_wait3A_144 : memref<32x768xf32, #tpu.memory_space<hbm>>) dst(%dma_wait3A_141 : memref<32x768xf32, #tpu.memory_space<vmem>>)
      %jit3A_145 = arith.constant 3 : i32
      %eq3A_146 = arith.constant 0 : i32
      %eq3A_147 = arith.cmpi eq, %jit3A_145, %eq3A_146 : i32
      %jit3A_148 = arith.constant 1 : i32
      %select_n3A_149 = arith.select %eq3A_147, %jit3A_148, %jit3A_145 : i32
      %rem3A_150 = arith.remsi %add3A_88, %select_n3A_149 : i32
      %ne3A_151 = arith.constant 0 : i32
      %ne3A_152 = arith.cmpi ne, %rem3A_150, %ne3A_151 : i32
      %lt3A_153 = arith.constant 0 : i32
      %lt3A_154 = arith.cmpi slt, %rem3A_150, %lt3A_153 : i32
      %lt3A_155 = arith.constant 0 : i32
      %lt3A_156 = arith.cmpi slt, %select_n3A_149, %lt3A_155 : i32
      %ne3A_157 = arith.xori %lt3A_154, %lt3A_156 : i1
      %and3A_158 = arith.andi %ne3A_157, %ne3A_152 : i1
      %add3A_159 = arith.addi %rem3A_150, %select_n3A_149 : i32
      %select_n3A_160 = arith.select %and3A_158, %add3A_159, %rem3A_150 : i32
      %jit3A_161 = arith.constant 2 : i32
      %eq3A_162 = arith.constant 0 : i32
      %eq3A_163 = arith.cmpi eq, %jit3A_161, %eq3A_162 : i32
      %jit3A_164 = arith.constant 1 : i32
      %select_n3A_165 = arith.select %eq3A_163, %jit3A_164, %jit3A_161 : i32
      %rem3A_166 = arith.remsi %select_n3A, %select_n3A_165 : i32
      %ne3A_167 = arith.constant 0 : i32
      %ne3A_168 = arith.cmpi ne, %rem3A_166, %ne3A_167 : i32
      %lt3A_169 = arith.constant 0 : i32
      %lt3A_170 = arith.cmpi slt, %rem3A_166, %lt3A_169 : i32
      %lt3A_171 = arith.constant 0 : i32
      %lt3A_172 = arith.cmpi slt, %select_n3A_165, %lt3A_171 : i32
      %ne3A_173 = arith.xori %lt3A_170, %lt3A_172 : i1
      %and3A_174 = arith.andi %ne3A_173, %ne3A_168 : i1
      %add3A_175 = arith.addi %rem3A_166, %select_n3A_165 : i32
      %select_n3A_176 = arith.select %and3A_174, %add3A_175, %rem3A_166 : i32
      %parallel_loop3A = arith.constant 0 : i32
      %parallel_loop3A_177 = arith.constant 24576 : i32
      %parallel_loop3A_178 = arith.constant 16 : i32
      scf.for %parallel_loop3A_379 = %parallel_loop3A to %parallel_loop3A_177 step %parallel_loop3A_178  : i32 {
        %parallel_loop3A_380 = arith.constant 768 : i32
        %parallel_loop3A_381 = arith.divsi %parallel_loop3A_379, %parallel_loop3A_380 : i32
        %parallel_loop3A_382 = arith.constant 0 : i32
        %parallel_loop3A_383 = arith.cmpi sgt, %parallel_loop3A_379, %parallel_loop3A_382 : i32
        %parallel_loop3A_384 = arith.extui %parallel_loop3A_383 : i1 to i32
        %parallel_loop3A_385 = arith.constant 0 : i32
        %parallel_loop3A_386 = arith.cmpi slt, %parallel_loop3A_379, %parallel_loop3A_385 : i32
        %parallel_loop3A_387 = arith.extui %parallel_loop3A_386 : i1 to i32
        %parallel_loop3A_388 = arith.subi %parallel_loop3A_384, %parallel_loop3A_387 : i32
        %parallel_loop3A_389 = arith.constant 0 : i32
        %parallel_loop3A_390 = arith.cmpi sgt, %parallel_loop3A_380, %parallel_loop3A_389 : i32
        %parallel_loop3A_391 = arith.extui %parallel_loop3A_390 : i1 to i32
        %parallel_loop3A_392 = arith.constant 0 : i32
        %parallel_loop3A_393 = arith.cmpi slt, %parallel_loop3A_380, %parallel_loop3A_392 : i32
        %parallel_loop3A_394 = arith.extui %parallel_loop3A_393 : i1 to i32
        %parallel_loop3A_395 = arith.subi %parallel_loop3A_391, %parallel_loop3A_394 : i32
        %parallel_loop3A_396 = arith.cmpi ne, %parallel_loop3A_388, %parallel_loop3A_395 : i32
        %parallel_loop3A_397 = arith.remsi %parallel_loop3A_379, %parallel_loop3A_380 : i32
        %parallel_loop3A_398 = arith.constant 0 : i32
        %parallel_loop3A_399 = arith.cmpi ne, %parallel_loop3A_397, %parallel_loop3A_398 : i32
        %parallel_loop3A_400 = arith.andi %parallel_loop3A_396, %parallel_loop3A_399 : i1
        %parallel_loop3A_401 = arith.constant 1 : i32
        %parallel_loop3A_402 = arith.subi %parallel_loop3A_381, %parallel_loop3A_401 : i32
        %parallel_loop3A_403 = arith.select %parallel_loop3A_400, %parallel_loop3A_402, %parallel_loop3A_381 : i32
        %parallel_loop3A_404 = arith.constant 768 : i32
        %parallel_loop3A_405 = arith.muli %parallel_loop3A_403, %parallel_loop3A_404 : i32
        %parallel_loop3A_406 = arith.subi %parallel_loop3A_379, %parallel_loop3A_405 : i32
        %parallel_loop3A_407 = arith.constant 0 : i32
        %parallel_loop3A_408 = arith.constant 0 : i32
        %parallel_loop3A_409 = tpu.memref_slice %arg6[%select_n3A_176, %parallel_loop3A_407, %parallel_loop3A_408] : memref<2x32x768xf32, #tpu.memory_space<vmem>> -> memref<1x32x768xf32, #tpu.memory_space<vmem>>
        %parallel_loop3A_410 = tpu.memref_squeeze %parallel_loop3A_409 : memref<1x32x768xf32, #tpu.memory_space<vmem>> -> memref<32x768xf32, #tpu.memory_space<vmem>>
        %parallel_loop3A_411 = arith.index_cast %parallel_loop3A_403 : i32 to index
        %parallel_loop3A_412 = arith.index_cast %parallel_loop3A_406 : i32 to index
        %parallel_loop3A_413 = tpu.vector_load %parallel_loop3A_410[%parallel_loop3A_411, %parallel_loop3A_412] {strides = array<i32>} : memref<32x768xf32, #tpu.memory_space<vmem>>, vector<1x16xf32>,
        %parallel_loop3A_414 = vector.shape_cast %parallel_loop3A_413 : vector<1x16xf32> to vector<16xf32>
        %parallel_loop3A_415 = arith.constant 0 : i32
        %parallel_loop3A_416 = arith.constant 0 : i32
        %parallel_loop3A_417 = tpu.memref_slice %arg5[%select_n3A_160, %parallel_loop3A_415, %parallel_loop3A_416] : memref<3x32x768xf32, #tpu.memory_space<vmem>> -> memref<1x32x768xf32, #tpu.memory_space<vmem>>
        %parallel_loop3A_418 = tpu.memref_squeeze %parallel_loop3A_417 : memref<1x32x768xf32, #tpu.memory_space<vmem>> -> memref<32x768xf32, #tpu.memory_space<vmem>>
        %parallel_loop3A_419 = arith.index_cast %parallel_loop3A_403 : i32 to index
        %parallel_loop3A_420 = arith.index_cast %parallel_loop3A_406 : i32 to index
        %parallel_loop3A_421 = tpu.vector_load %parallel_loop3A_418[%parallel_loop3A_419, %parallel_loop3A_420] {strides = array<i32>} : memref<32x768xf32, #tpu.memory_space<vmem>>, vector<1x16xf32>,
        %parallel_loop3A_422 = vector.shape_cast %parallel_loop3A_421 : vector<1x16xf32> to vector<16xf32>
        %parallel_loop3A_423 = vector.shape_cast %parallel_loop3A_414 : vector<16xf32> to vector<1x16xf32>
        tpu.vector_store %parallel_loop3A_418[%parallel_loop3A_419, %parallel_loop3A_420], %parallel_loop3A_423 {add = true, strides = array<i32>} : memref<32x768xf32, #tpu.memory_space<vmem>>, vector<1x16xf32>,
      } {sc.loop_unroll_factor = 8 : i64, sc.parallel_access}
      %jit3A_179 = arith.constant 4 : i32
      %div3A_180 = arith.divsi %add3A_88, %jit3A_179 : i32
      %sign3A_181 = arith.constant 0 : i32
      %sign3A_182 = arith.cmpi sgt, %add3A_88, %sign3A_181 : i32
      %sign3A_183 = arith.extui %sign3A_182 : i1 to i32
      %sign3A_184 = arith.constant 0 : i32
      %sign3A_185 = arith.cmpi slt, %add3A_88, %sign3A_184 : i32
      %sign3A_186 = arith.extui %sign3A_185 : i1 to i32
      %sign3A_187 = arith.subi %sign3A_183, %sign3A_186 : i32
      %sign3A_188 = arith.constant 0 : i32
      %sign3A_189 = arith.cmpi sgt, %jit3A_179, %sign3A_188 : i32
      %sign3A_190 = arith.extui %sign3A_189 : i1 to i32
      %sign3A_191 = arith.constant 0 : i32
      %sign3A_192 = arith.cmpi slt, %jit3A_179, %sign3A_191 : i32
      %sign3A_193 = arith.extui %sign3A_192 : i1 to i32
      %sign3A_194 = arith.subi %sign3A_190, %sign3A_193 : i32
      %ne3A_195 = arith.cmpi ne, %sign3A_187, %sign3A_194 : i32
      %rem3A_196 = arith.remsi %add3A_88, %jit3A_179 : i32
      %ne3A_197 = arith.constant 0 : i32
      %ne3A_198 = arith.cmpi ne, %rem3A_196, %ne3A_197 : i32
      %and3A_199 = arith.andi %ne3A_195, %ne3A_198 : i1
      %sub3A_200 = arith.constant 1 : i32
      %sub3A_201 = arith.subi %div3A_180, %sub3A_200 : i32
      %select_n3A_202 = arith.select %and3A_199, %sub3A_201, %div3A_180 : i32
      %mul3A_203 = arith.constant 4 : i32
      %mul3A_204 = arith.muli %select_n3A_202, %mul3A_203 : i32
      %sub3A_205 = arith.subi %add3A_88, %mul3A_204 : i32
      %mul3A_206 = arith.constant 8192 : i32
      %mul3A_207 = arith.muli %sub3A_205, %mul3A_206 : i32
      %add3A_208 = arith.addi %mul3A_207, %mul3A_2 : i32
      %mul3A_209 = arith.constant 32 : i32
      %mul3A_210 = arith.muli %select_n3A_202, %mul3A_209 : i32
      %add3A_211 = arith.addi %add3A_208, %mul3A_210 : i32
      %dma_start3A_212 = arith.constant 0 : i32
      %dma_start3A_213 = arith.constant 0 : i32
      %dma_start3A_214 = tpu.memref_slice %arg5[%select_n3A_160, %dma_start3A_212, %dma_start3A_213] : memref<3x32x768xf32, #tpu.memory_space<vmem>> -> memref<1x32x768xf32, #tpu.memory_space<vmem>>
      %dma_start3A_215 = tpu.memref_squeeze %dma_start3A_214 : memref<1x32x768xf32, #tpu.memory_space<vmem>> -> memref<32x768xf32, #tpu.memory_space<vmem>>
      %dma_start3A_216 = arith.constant 0 : i32
      %dma_start3A_217 = tpu.memref_slice %arg4[%add3A_211, %dma_start3A_216] : memref<32768x768xf32, #tpu.memory_space<hbm>> -> memref<32x768xf32, #tpu.memory_space<hbm>>
      %dma_start3A_218 = arith.constant 0 : i32
      %dma_start3A_219 = tpu.memref_slice %arg4[%add3A_211, %dma_start3A_218] : memref<32768x768xf32, #tpu.memory_space<hbm>> -> memref<32x768xf32, #tpu.memory_space<hbm>>
      %dma_start3A_220 = arith.constant 0 : i32
      %dma_start3A_221 = arith.constant 0 : i32
      %dma_start3A_222 = tpu.memref_slice %arg5[%select_n3A_160, %dma_start3A_220, %dma_start3A_221] : memref<3x32x768xf32, #tpu.memory_space<vmem>> -> memref<1x32x768xf32, #tpu.memory_space<vmem>>
      %dma_start3A_223 = tpu.memref_squeeze %dma_start3A_222 : memref<1x32x768xf32, #tpu.memory_space<vmem>> -> memref<32x768xf32, #tpu.memory_space<vmem>>
      tpu.enqueue_dma source(%dma_start3A_223 : memref<32x768xf32, #tpu.memory_space<vmem>>) target(%dma_start3A_219 : memref<32x768xf32, #tpu.memory_space<hbm>>) target_semaphore(%arg9 : memref<!tpu.dma_semaphore, #tpu.memory_space<semaphore_mem>>)
      %scan3A_224 = arith.constant 1 : i32
      %scan3A_225 = arith.addi %scan3A_84, %scan3A_224 : i32
      %mul3A_226 = arith.constant 1 : i32
      %mul3A_227 = arith.muli %scan3A_225, %mul3A_226 : i32
      %add3A_228 = arith.constant 0 : i32
      %add3A_229 = arith.addi %add3A_228, %mul3A_227 : i32
      %jit3A_230 = arith.constant 4 : i32
      %div3A_231 = arith.divsi %add3A_229, %jit3A_230 : i32
      %sign3A_232 = arith.constant 0 : i32
      %sign3A_233 = arith.cmpi sgt, %add3A_229, %sign3A_232 : i32
      %sign3A_234 = arith.extui %sign3A_233 : i1 to i32
      %sign3A_235 = arith.constant 0 : i32
      %sign3A_236 = arith.cmpi slt, %add3A_229, %sign3A_235 : i32
      %sign3A_237 = arith.extui %sign3A_236 : i1 to i32
      %sign3A_238 = arith.subi %sign3A_234, %sign3A_237 : i32
      %sign3A_239 = arith.constant 0 : i32
      %sign3A_240 = arith.cmpi sgt, %jit3A_230, %sign3A_239 : i32
      %sign3A_241 = arith.extui %sign3A_240 : i1 to i32
      %sign3A_242 = arith.constant 0 : i32
      %sign3A_243 = arith.cmpi slt, %jit3A_230, %sign3A_242 : i32
      %sign3A_244 = arith.extui %sign3A_243 : i1 to i32
      %sign3A_245 = arith.subi %sign3A_241, %sign3A_244 : i32
      %ne3A_246 = arith.cmpi ne, %sign3A_238, %sign3A_245 : i32
      %rem3A_247 = arith.remsi %add3A_229, %jit3A_230 : i32
      %ne3A_248 = arith.constant 0 : i32
      %ne3A_249 = arith.cmpi ne, %rem3A_247, %ne3A_248 : i32
      %and3A_250 = arith.andi %ne3A_246, %ne3A_249 : i1
      %sub3A_251 = arith.constant 1 : i32
      %sub3A_252 = arith.subi %div3A_231, %sub3A_251 : i32
      %select_n3A_253 = arith.select %and3A_250, %sub3A_252, %div3A_231 : i32
      %mul3A_254 = arith.constant 4 : i32
      %mul3A_255 = arith.muli %select_n3A_253, %mul3A_254 : i32
      %sub3A_256 = arith.subi %add3A_229, %mul3A_255 : i32
      %ge3A_257 = arith.constant 2 : i32
      %ge3A_258 = arith.cmpi sge, %add3A_229, %ge3A_257 : i32
      %convert_element_type3A_259 = arith.extui %ge3A_258 : i1 to i32
      %cond3A_260 = arith.constant 0 : i32
      %cond3A_261 = arith.cmpi ne, %convert_element_type3A_259, %cond3A_260 : i32
      scf.if %cond3A_261 {
        %dma_wait3A_379 = arith.constant 0 : i32
        %dma_wait3A_380 = arith.constant 0 : i32
        %dma_wait3A_381 = arith.constant 0 : i32
        %dma_wait3A_382 = tpu.memref_slice %arg5[%dma_wait3A_379, %dma_wait3A_380, %dma_wait3A_381] : memref<3x32x768xf32, #tpu.memory_space<vmem>> -> memref<1x32x768xf32, #tpu.memory_space<vmem>>
        %dma_wait3A_383 = tpu.memref_squeeze %dma_wait3A_382 : memref<1x32x768xf32, #tpu.memory_space<vmem>> -> memref<32x768xf32, #tpu.memory_space<vmem>>
        %dma_wait3A_384 = arith.constant 0 : i32
        %dma_wait3A_385 = arith.constant 0 : i32
        %dma_wait3A_386 = tpu.memref_slice %arg4[%dma_wait3A_384, %dma_wait3A_385] : memref<32768x768xf32, #tpu.memory_space<hbm>> -> memref<32x768xf32, #tpu.memory_space<hbm>>
        %dma_wait3A_387 = arith.constant 0 : i32
        %dma_wait3A_388 = arith.constant 0 : i32
        %dma_wait3A_389 = tpu.memref_slice %arg4[%dma_wait3A_387, %dma_wait3A_388] : memref<32768x768xf32, #tpu.memory_space<hbm>> -> memref<32x768xf32, #tpu.memory_space<hbm>>
        %dma_wait3A_390 = arith.constant 0 : i32
        %dma_wait3A_391 = arith.constant 0 : i32
        %dma_wait3A_392 = tpu.memref_slice %arg5[%dma_wait3A_379, %dma_wait3A_390, %dma_wait3A_391] : memref<3x32x768xf32, #tpu.memory_space<vmem>> -> memref<1x32x768xf32, #tpu.memory_space<vmem>>
        %dma_wait3A_393 = tpu.memref_squeeze %dma_wait3A_392 : memref<1x32x768xf32, #tpu.memory_space<vmem>> -> memref<32x768xf32, #tpu.memory_space<vmem>>
        tpu.wait_dma2 semaphore(%arg9 : memref<!tpu.dma_semaphore, #tpu.memory_space<semaphore_mem>>) src(%dma_wait3A_393 : memref<32x768xf32, #tpu.memory_space<vmem>>) dst(%dma_wait3A_389 : memref<32x768xf32, #tpu.memory_space<hbm>>)
      } else {
      }
      %add3A_262 = arith.constant 2 : i32
      %add3A_263 = arith.addi %add3A_229, %add3A_262 : i32
      %lt3A_264 = arith.constant 32 : i32
      %lt3A_265 = arith.cmpi slt, %add3A_263, %lt3A_264 : i32
      %convert_element_type3A_266 = arith.extui %lt3A_265 : i1 to i32
      %cond3A_267 = arith.constant 0 : i32
      %cond3A_268 = arith.cmpi ne, %convert_element_type3A_266, %cond3A_267 : i32
      scf.if %cond3A_268 {
        %add3A_379 = arith.constant 2 : i32
        %add3A_380 = arith.addi %add3A_229, %add3A_379 : i32
        %jit3A_381 = arith.constant 4 : i32
        %div3A_382 = arith.divsi %add3A_380, %jit3A_381 : i32
        %sign3A_383 = arith.constant 0 : i32
        %sign3A_384 = arith.cmpi sgt, %add3A_380, %sign3A_383 : i32
        %sign3A_385 = arith.extui %sign3A_384 : i1 to i32
        %sign3A_386 = arith.constant 0 : i32
        %sign3A_387 = arith.cmpi slt, %add3A_380, %sign3A_386 : i32
        %sign3A_388 = arith.extui %sign3A_387 : i1 to i32
        %sign3A_389 = arith.subi %sign3A_385, %sign3A_388 : i32
        %sign3A_390 = arith.constant 0 : i32
        %sign3A_391 = arith.cmpi sgt, %jit3A_381, %sign3A_390 : i32
        %sign3A_392 = arith.extui %sign3A_391 : i1 to i32
        %sign3A_393 = arith.constant 0 : i32
        %sign3A_394 = arith.cmpi slt, %jit3A_381, %sign3A_393 : i32
        %sign3A_395 = arith.extui %sign3A_394 : i1 to i32
        %sign3A_396 = arith.subi %sign3A_392, %sign3A_395 : i32
        %ne3A_397 = arith.cmpi ne, %sign3A_389, %sign3A_396 : i32
        %rem3A_398 = arith.remsi %add3A_380, %jit3A_381 : i32
        %ne3A_399 = arith.constant 0 : i32
        %ne3A_400 = arith.cmpi ne, %rem3A_398, %ne3A_399 : i32
        %and3A_401 = arith.andi %ne3A_397, %ne3A_400 : i1
        %sub3A_402 = arith.constant 1 : i32
        %sub3A_403 = arith.subi %div3A_382, %sub3A_402 : i32
        %select_n3A_404 = arith.select %and3A_401, %sub3A_403, %div3A_382 : i32
        %mul3A_405 = arith.constant 4 : i32
        %mul3A_406 = arith.muli %select_n3A_404, %mul3A_405 : i32
        %sub3A_407 = arith.subi %add3A_380, %mul3A_406 : i32
        %mul3A_408 = arith.constant 8192 : i32
        %mul3A_409 = arith.muli %sub3A_407, %mul3A_408 : i32
        %add3A_410 = arith.addi %mul3A_409, %mul3A_2 : i32
        %mul3A_411 = arith.constant 32 : i32
        %mul3A_412 = arith.muli %select_n3A_404, %mul3A_411 : i32
        %add3A_413 = arith.addi %add3A_410, %mul3A_412 : i32
        %jit3A_414 = arith.constant 3 : i32
        %eq3A_415 = arith.constant 0 : i32
        %eq3A_416 = arith.cmpi eq, %jit3A_414, %eq3A_415 : i32
        %jit3A_417 = arith.constant 1 : i32
        %select_n3A_418 = arith.select %eq3A_416, %jit3A_417, %jit3A_414 : i32
        %rem3A_419 = arith.remsi %add3A_380, %select_n3A_418 : i32
        %ne3A_420 = arith.constant 0 : i32
        %ne3A_421 = arith.cmpi ne, %rem3A_419, %ne3A_420 : i32
        %lt3A_422 = arith.constant 0 : i32
        %lt3A_423 = arith.cmpi slt, %rem3A_419, %lt3A_422 : i32
        %lt3A_424 = arith.constant 0 : i32
        %lt3A_425 = arith.cmpi slt, %select_n3A_418, %lt3A_424 : i32
        %ne3A_426 = arith.xori %lt3A_423, %lt3A_425 : i1
        %and3A_427 = arith.andi %ne3A_426, %ne3A_421 : i1
        %add3A_428 = arith.addi %rem3A_419, %select_n3A_418 : i32
        %select_n3A_429 = arith.select %and3A_427, %add3A_428, %rem3A_419 : i32
        %dma_start3A_430 = arith.constant 0 : i32
        %dma_start3A_431 = arith.constant 0 : i32
        %dma_start3A_432 = tpu.memref_slice %arg5[%select_n3A_429, %dma_start3A_430, %dma_start3A_431] : memref<3x32x768xf32, #tpu.memory_space<vmem>> -> memref<1x32x768xf32, #tpu.memory_space<vmem>>
        %dma_start3A_433 = tpu.memref_squeeze %dma_start3A_432 : memref<1x32x768xf32, #tpu.memory_space<vmem>> -> memref<32x768xf32, #tpu.memory_space<vmem>>
        %dma_start3A_434 = arith.constant 0 : i32
        %dma_start3A_435 = tpu.memref_slice %arg2[%add3A_413, %dma_start3A_434] : memref<32768x768xf32, #tpu.memory_space<hbm>> -> memref<32x768xf32, #tpu.memory_space<hbm>>
        %dma_start3A_436 = arith.constant 0 : i32
        %dma_start3A_437 = arith.constant 0 : i32
        %dma_start3A_438 = tpu.memref_slice %arg5[%select_n3A_429, %dma_start3A_436, %dma_start3A_437] : memref<3x32x768xf32, #tpu.memory_space<vmem>> -> memref<1x32x768xf32, #tpu.memory_space<vmem>>
        %dma_start3A_439 = tpu.memref_squeeze %dma_start3A_438 : memref<1x32x768xf32, #tpu.memory_space<vmem>> -> memref<32x768xf32, #tpu.memory_space<vmem>>
        %dma_start3A_440 = arith.constant 0 : i32
        %dma_start3A_441 = tpu.memref_slice %arg2[%add3A_413, %dma_start3A_440] : memref<32768x768xf32, #tpu.memory_space<hbm>> -> memref<32x768xf32, #tpu.memory_space<hbm>>
        tpu.enqueue_dma source(%dma_start3A_441 : memref<32x768xf32, #tpu.memory_space<hbm>>) target(%dma_start3A_439 : memref<32x768xf32, #tpu.memory_space<vmem>>) target_semaphore(%arg7 : memref<!tpu.dma_semaphore, #tpu.memory_space<semaphore_mem>>)
      } else {
      }
      %eq3A_269 = arith.constant 0 : i32
      %eq3A_270 = arith.cmpi eq, %sub3A_256, %eq3A_269 : i32
      %add3A_271 = arith.constant 1 : i32
      %add3A_272 = arith.addi %select_n3A_253, %add3A_271 : i32
      %lt3A_273 = arith.constant 8 : i32
      %lt3A_274 = arith.cmpi slt, %add3A_272, %lt3A_273 : i32
      %and3A_275 = arith.andi %eq3A_270, %lt3A_274 : i1
      %convert_element_type3A_276 = arith.extui %and3A_275 : i1 to i32
      %cond3A_277 = arith.constant 0 : i32
      %cond3A_278 = arith.cmpi ne, %convert_element_type3A_276, %cond3A_277 : i32
      scf.if %cond3A_278 {
        %add3A_379 = arith.constant 1 : i32
        %add3A_380 = arith.addi %select_n3A_253, %add3A_379 : i32
        %mul3A_381 = arith.constant 32 : i32
        %mul3A_382 = arith.muli %add3A_380, %mul3A_381 : i32
        %add3A_383 = arith.addi %mul3A_2, %mul3A_382 : i32
        %jit3A_384 = arith.constant 2 : i32
        %eq3A_385 = arith.constant 0 : i32
        %eq3A_386 = arith.cmpi eq, %jit3A_384, %eq3A_385 : i32
        %jit3A_387 = arith.constant 1 : i32
        %select_n3A_388 = arith.select %eq3A_386, %jit3A_387, %jit3A_384 : i32
        %rem3A_389 = arith.remsi %add3A_380, %select_n3A_388 : i32
        %ne3A_390 = arith.constant 0 : i32
        %ne3A_391 = arith.cmpi ne, %rem3A_389, %ne3A_390 : i32
        %lt3A_392 = arith.constant 0 : i32
        %lt3A_393 = arith.cmpi slt, %rem3A_389, %lt3A_392 : i32
        %lt3A_394 = arith.constant 0 : i32
        %lt3A_395 = arith.cmpi slt, %select_n3A_388, %lt3A_394 : i32
        %ne3A_396 = arith.xori %lt3A_393, %lt3A_395 : i1
        %and3A_397 = arith.andi %ne3A_396, %ne3A_391 : i1
        %add3A_398 = arith.addi %rem3A_389, %select_n3A_388 : i32
        %select_n3A_399 = arith.select %and3A_397, %add3A_398, %rem3A_389 : i32
        %dma_start3A_400 = arith.constant 0 : i32
        %dma_start3A_401 = arith.constant 0 : i32
        %dma_start3A_402 = tpu.memref_slice %arg6[%select_n3A_399, %dma_start3A_400, %dma_start3A_401] : memref<2x32x768xf32, #tpu.memory_space<vmem>> -> memref<1x32x768xf32, #tpu.memory_space<vmem>>
        %dma_start3A_403 = tpu.memref_squeeze %dma_start3A_402 : memref<1x32x768xf32, #tpu.memory_space<vmem>> -> memref<32x768xf32, #tpu.memory_space<vmem>>
        %dma_start3A_404 = arith.constant 0 : i32
        %dma_start3A_405 = tpu.memref_slice %arg3[%add3A_383, %dma_start3A_404] : memref<8192x768xf32, #tpu.memory_space<hbm>> -> memref<32x768xf32, #tpu.memory_space<hbm>>
        %dma_start3A_406 = arith.constant 0 : i32
        %dma_start3A_407 = arith.constant 0 : i32
        %dma_start3A_408 = tpu.memref_slice %arg6[%select_n3A_399, %dma_start3A_406, %dma_start3A_407] : memref<2x32x768xf32, #tpu.memory_space<vmem>> -> memref<1x32x768xf32, #tpu.memory_space<vmem>>
        %dma_start3A_409 = tpu.memref_squeeze %dma_start3A_408 : memref<1x32x768xf32, #tpu.memory_space<vmem>> -> memref<32x768xf32, #tpu.memory_space<vmem>>
        %dma_start3A_410 = arith.constant 0 : i32
        %dma_start3A_411 = tpu.memref_slice %arg3[%add3A_383, %dma_start3A_410] : memref<8192x768xf32, #tpu.memory_space<hbm>> -> memref<32x768xf32, #tpu.memory_space<hbm>>
        tpu.enqueue_dma source(%dma_start3A_411 : memref<32x768xf32, #tpu.memory_space<hbm>>) target(%dma_start3A_409 : memref<32x768xf32, #tpu.memory_space<vmem>>) target_semaphore(%arg8 : memref<!tpu.dma_semaphore, #tpu.memory_space<semaphore_mem>>)
      } else {
      }
      %eq3A_279 = arith.constant 0 : i32
      %eq3A_280 = arith.cmpi eq, %sub3A_256, %eq3A_279 : i32
      %convert_element_type3A_281 = arith.extui %eq3A_280 : i1 to i32
      %cond3A_282 = arith.constant 0 : i32
      %cond3A_283 = arith.cmpi ne, %convert_element_type3A_281, %cond3A_282 : i32
      scf.if %cond3A_283 {
        %dma_wait3A_379 = arith.constant 0 : i32
        %dma_wait3A_380 = arith.constant 0 : i32
        %dma_wait3A_381 = arith.constant 0 : i32
        %dma_wait3A_382 = tpu.memref_slice %arg6[%dma_wait3A_379, %dma_wait3A_380, %dma_wait3A_381] : memref<2x32x768xf32, #tpu.memory_space<vmem>> -> memref<1x32x768xf32, #tpu.memory_space<vmem>>
        %dma_wait3A_383 = tpu.memref_squeeze %dma_wait3A_382 : memref<1x32x768xf32, #tpu.memory_space<vmem>> -> memref<32x768xf32, #tpu.memory_space<vmem>>
        %dma_wait3A_384 = arith.constant 0 : i32
        %dma_wait3A_385 = arith.constant 0 : i32
        %dma_wait3A_386 = tpu.memref_slice %arg3[%dma_wait3A_384, %dma_wait3A_385] : memref<8192x768xf32, #tpu.memory_space<hbm>> -> memref<32x768xf32, #tpu.memory_space<hbm>>
        %dma_wait3A_387 = arith.constant 0 : i32
        %dma_wait3A_388 = arith.constant 0 : i32
        %dma_wait3A_389 = tpu.memref_slice %arg6[%dma_wait3A_379, %dma_wait3A_387, %dma_wait3A_388] : memref<2x32x768xf32, #tpu.memory_space<vmem>> -> memref<1x32x768xf32, #tpu.memory_space<vmem>>
        %dma_wait3A_390 = tpu.memref_squeeze %dma_wait3A_389 : memref<1x32x768xf32, #tpu.memory_space<vmem>> -> memref<32x768xf32, #tpu.memory_space<vmem>>
        %dma_wait3A_391 = arith.constant 0 : i32
        %dma_wait3A_392 = arith.constant 0 : i32
        %dma_wait3A_393 = tpu.memref_slice %arg3[%dma_wait3A_391, %dma_wait3A_392] : memref<8192x768xf32, #tpu.memory_space<hbm>> -> memref<32x768xf32, #tpu.memory_space<hbm>>
        tpu.wait_dma2 semaphore(%arg8 : memref<!tpu.dma_semaphore, #tpu.memory_space<semaphore_mem>>) src(%dma_wait3A_393 : memref<32x768xf32, #tpu.memory_space<hbm>>) dst(%dma_wait3A_390 : memref<32x768xf32, #tpu.memory_space<vmem>>)
      } else {
      }
      %dma_wait3A_284 = arith.constant 0 : i32
      %dma_wait3A_285 = arith.constant 0 : i32
      %dma_wait3A_286 = arith.constant 0 : i32
      %dma_wait3A_287 = tpu.memref_slice %arg5[%dma_wait3A_284, %dma_wait3A_285, %dma_wait3A_286] : memref<3x32x768xf32, #tpu.memory_space<vmem>> -> memref<1x32x768xf32, #tpu.memory_space<vmem>>
      %dma_wait3A_288 = tpu.memref_squeeze %dma_wait3A_287 : memref<1x32x768xf32, #tpu.memory_space<vmem>> -> memref<32x768xf32, #tpu.memory_space<vmem>>
      %dma_wait3A_289 = arith.constant 0 : i32
      %dma_wait3A_290 = arith.constant 0 : i32
      %dma_wait3A_291 = tpu.memref_slice %arg2[%dma_wait3A_289, %dma_wait3A_290] : memref<32768x768xf32, #tpu.memory_space<hbm>> -> memref<32x768xf32, #tpu.memory_space<hbm>>
      %dma_wait3A_292 = arith.constant 0 : i32
      %dma_wait3A_293 = arith.constant 0 : i32
      %dma_wait3A_294 = tpu.memref_slice %arg5[%dma_wait3A_284, %dma_wait3A_292, %dma_wait3A_293] : memref<3x32x768xf32, #tpu.memory_space<vmem>> -> memref<1x32x768xf32, #tpu.memory_space<vmem>>
      %dma_wait3A_295 = tpu.memref_squeeze %dma_wait3A_294 : memref<1x32x768xf32, #tpu.memory_space<vmem>> -> memref<32x768xf32, #tpu.memory_space<vmem>>
      %dma_wait3A_296 = arith.constant 0 : i32
      %dma_wait3A_297 = arith.constant 0 : i32
      %dma_wait3A_298 = tpu.memref_slice %arg2[%dma_wait3A_296, %dma_wait3A_297] : memref<32768x768xf32, #tpu.memory_space<hbm>> -> memref<32x768xf32, #tpu.memory_space<hbm>>
      tpu.wait_dma2 semaphore(%arg7 : memref<!tpu.dma_semaphore, #tpu.memory_space<semaphore_mem>>) src(%dma_wait3A_298 : memref<32x768xf32, #tpu.memory_space<hbm>>) dst(%dma_wait3A_295 : memref<32x768xf32, #tpu.memory_space<vmem>>)
      %jit3A_299 = arith.constant 3 : i32
      %eq3A_300 = arith.constant 0 : i32
      %eq3A_301 = arith.cmpi eq, %jit3A_299, %eq3A_300 : i32
      %jit3A_302 = arith.constant 1 : i32
      %select_n3A_303 = arith.select %eq3A_301, %jit3A_302, %jit3A_299 : i32
      %rem3A_304 = arith.remsi %add3A_229, %select_n3A_303 : i32
      %ne3A_305 = arith.constant 0 : i32
      %ne3A_306 = arith.cmpi ne, %rem3A_304, %ne3A_305 : i32
      %lt3A_307 = arith.constant 0 : i32
      %lt3A_308 = arith.cmpi slt, %rem3A_304, %lt3A_307 : i32
      %lt3A_309 = arith.constant 0 : i32
      %lt3A_310 = arith.cmpi slt, %select_n3A_303, %lt3A_309 : i32
      %ne3A_311 = arith.xori %lt3A_308, %lt3A_310 : i1
      %and3A_312 = arith.andi %ne3A_311, %ne3A_306 : i1
      %add3A_313 = arith.addi %rem3A_304, %select_n3A_303 : i32
      %select_n3A_314 = arith.select %and3A_312, %add3A_313, %rem3A_304 : i32
      %jit3A_315 = arith.constant 2 : i32
      %eq3A_316 = arith.constant 0 : i32
      %eq3A_317 = arith.cmpi eq, %jit3A_315, %eq3A_316 : i32
      %jit3A_318 = arith.constant 1 : i32
      %select_n3A_319 = arith.select %eq3A_317, %jit3A_318, %jit3A_315 : i32
      %rem3A_320 = arith.remsi %select_n3A_253, %select_n3A_319 : i32
      %ne3A_321 = arith.constant 0 : i32
      %ne3A_322 = arith.cmpi ne, %rem3A_320, %ne3A_321 : i32
      %lt3A_323 = arith.constant 0 : i32
      %lt3A_324 = arith.cmpi slt, %rem3A_320, %lt3A_323 : i32
      %lt3A_325 = arith.constant 0 : i32
      %lt3A_326 = arith.cmpi slt, %select_n3A_319, %lt3A_325 : i32
      %ne3A_327 = arith.xori %lt3A_324, %lt3A_326 : i1
      %and3A_328 = arith.andi %ne3A_327, %ne3A_322 : i1
      %add3A_329 = arith.addi %rem3A_320, %select_n3A_319 : i32
      %select_n3A_330 = arith.select %and3A_328, %add3A_329, %rem3A_320 : i32
      %parallel_loop3A_331 = arith.constant 0 : i32
      %parallel_loop3A_332 = arith.constant 24576 : i32
      %parallel_loop3A_333 = arith.constant 16 : i32
      scf.for %parallel_loop3A_379 = %parallel_loop3A_331 to %parallel_loop3A_332 step %parallel_loop3A_333  : i32 {
        %parallel_loop3A_380 = arith.constant 768 : i32
        %parallel_loop3A_381 = arith.divsi %parallel_loop3A_379, %parallel_loop3A_380 : i32
        %parallel_loop3A_382 = arith.constant 0 : i32
        %parallel_loop3A_383 = arith.cmpi sgt, %parallel_loop3A_379, %parallel_loop3A_382 : i32
        %parallel_loop3A_384 = arith.extui %parallel_loop3A_383 : i1 to i32
        %parallel_loop3A_385 = arith.constant 0 : i32
        %parallel_loop3A_386 = arith.cmpi slt, %parallel_loop3A_379, %parallel_loop3A_385 : i32
        %parallel_loop3A_387 = arith.extui %parallel_loop3A_386 : i1 to i32
        %parallel_loop3A_388 = arith.subi %parallel_loop3A_384, %parallel_loop3A_387 : i32
        %parallel_loop3A_389 = arith.constant 0 : i32
        %parallel_loop3A_390 = arith.cmpi sgt, %parallel_loop3A_380, %parallel_loop3A_389 : i32
        %parallel_loop3A_391 = arith.extui %parallel_loop3A_390 : i1 to i32
        %parallel_loop3A_392 = arith.constant 0 : i32
        %parallel_loop3A_393 = arith.cmpi slt, %parallel_loop3A_380, %parallel_loop3A_392 : i32
        %parallel_loop3A_394 = arith.extui %parallel_loop3A_393 : i1 to i32
        %parallel_loop3A_395 = arith.subi %parallel_loop3A_391, %parallel_loop3A_394 : i32
        %parallel_loop3A_396 = arith.cmpi ne, %parallel_loop3A_388, %parallel_loop3A_395 : i32
        %parallel_loop3A_397 = arith.remsi %parallel_loop3A_379, %parallel_loop3A_380 : i32
        %parallel_loop3A_398 = arith.constant 0 : i32
        %parallel_loop3A_399 = arith.cmpi ne, %parallel_loop3A_397, %parallel_loop3A_398 : i32
        %parallel_loop3A_400 = arith.andi %parallel_loop3A_396, %parallel_loop3A_399 : i1
        %parallel_loop3A_401 = arith.constant 1 : i32
        %parallel_loop3A_402 = arith.subi %parallel_loop3A_381, %parallel_loop3A_401 : i32
        %parallel_loop3A_403 = arith.select %parallel_loop3A_400, %parallel_loop3A_402, %parallel_loop3A_381 : i32
        %parallel_loop3A_404 = arith.constant 768 : i32
        %parallel_loop3A_405 = arith.muli %parallel_loop3A_403, %parallel_loop3A_404 : i32
        %parallel_loop3A_406 = arith.subi %parallel_loop3A_379, %parallel_loop3A_405 : i32
        %parallel_loop3A_407 = arith.constant 0 : i32
        %parallel_loop3A_408 = arith.constant 0 : i32
        %parallel_loop3A_409 = tpu.memref_slice %arg6[%select_n3A_330, %parallel_loop3A_407, %parallel_loop3A_408] : memref<2x32x768xf32, #tpu.memory_space<vmem>> -> memref<1x32x768xf32, #tpu.memory_space<vmem>>
        %parallel_loop3A_410 = tpu.memref_squeeze %parallel_loop3A_409 : memref<1x32x768xf32, #tpu.memory_space<vmem>> -> memref<32x768xf32, #tpu.memory_space<vmem>>
        %parallel_loop3A_411 = arith.index_cast %parallel_loop3A_403 : i32 to index
        %parallel_loop3A_412 = arith.index_cast %parallel_loop3A_406 : i32 to index
        %parallel_loop3A_413 = tpu.vector_load %parallel_loop3A_410[%parallel_loop3A_411, %parallel_loop3A_412] {strides = array<i32>} : memref<32x768xf32, #tpu.memory_space<vmem>>, vector<1x16xf32>,
        %parallel_loop3A_414 = vector.shape_cast %parallel_loop3A_413 : vector<1x16xf32> to vector<16xf32>
        %parallel_loop3A_415 = arith.constant 0 : i32
        %parallel_loop3A_416 = arith.constant 0 : i32
        %parallel_loop3A_417 = tpu.memref_slice %arg5[%select_n3A_314, %parallel_loop3A_415, %parallel_loop3A_416] : memref<3x32x768xf32, #tpu.memory_space<vmem>> -> memref<1x32x768xf32, #tpu.memory_space<vmem>>
        %parallel_loop3A_418 = tpu.memref_squeeze %parallel_loop3A_417 : memref<1x32x768xf32, #tpu.memory_space<vmem>> -> memref<32x768xf32, #tpu.memory_space<vmem>>
        %parallel_loop3A_419 = arith.index_cast %parallel_loop3A_403 : i32 to index
        %parallel_loop3A_420 = arith.index_cast %parallel_loop3A_406 : i32 to index
        %parallel_loop3A_421 = tpu.vector_load %parallel_loop3A_418[%parallel_loop3A_419, %parallel_loop3A_420] {strides = array<i32>} : memref<32x768xf32, #tpu.memory_space<vmem>>, vector<1x16xf32>,
        %parallel_loop3A_422 = vector.shape_cast %parallel_loop3A_421 : vector<1x16xf32> to vector<16xf32>
        %parallel_loop3A_423 = vector.shape_cast %parallel_loop3A_414 : vector<16xf32> to vector<1x16xf32>
        tpu.vector_store %parallel_loop3A_418[%parallel_loop3A_419, %parallel_loop3A_420], %parallel_loop3A_423 {add = true, strides = array<i32>} : memref<32x768xf32, #tpu.memory_space<vmem>>, vector<1x16xf32>,
      } {sc.loop_unroll_factor = 8 : i64, sc.parallel_access}
      %jit3A_334 = arith.constant 4 : i32
      %div3A_335 = arith.divsi %add3A_229, %jit3A_334 : i32
      %sign3A_336 = arith.constant 0 : i32
      %sign3A_337 = arith.cmpi sgt, %add3A_229, %sign3A_336 : i32
      %sign3A_338 = arith.extui %sign3A_337 : i1 to i32
      %sign3A_339 = arith.constant 0 : i32
      %sign3A_340 = arith.cmpi slt, %add3A_229, %sign3A_339 : i32
      %sign3A_341 = arith.extui %sign3A_340 : i1 to i32
      %sign3A_342 = arith.subi %sign3A_338, %sign3A_341 : i32
      %sign3A_343 = arith.constant 0 : i32
      %sign3A_344 = arith.cmpi sgt, %jit3A_334, %sign3A_343 : i32
      %sign3A_345 = arith.extui %sign3A_344 : i1 to i32
      %sign3A_346 = arith.constant 0 : i32
      %sign3A_347 = arith.cmpi slt, %jit3A_334, %sign3A_346 : i32
      %sign3A_348 = arith.extui %sign3A_347 : i1 to i32
      %sign3A_349 = arith.subi %sign3A_345, %sign3A_348 : i32
      %ne3A_350 = arith.cmpi ne, %sign3A_342, %sign3A_349 : i32
      %rem3A_351 = arith.remsi %add3A_229, %jit3A_334 : i32
      %ne3A_352 = arith.constant 0 : i32
      %ne3A_353 = arith.cmpi ne, %rem3A_351, %ne3A_352 : i32
      %and3A_354 = arith.andi %ne3A_350, %ne3A_353 : i1
      %sub3A_355 = arith.constant 1 : i32
      %sub3A_356 = arith.subi %div3A_335, %sub3A_355 : i32
      %select_n3A_357 = arith.select %and3A_354, %sub3A_356, %div3A_335 : i32
      %mul3A_358 = arith.constant 4 : i32
      %mul3A_359 = arith.muli %select_n3A_357, %mul3A_358 : i32
      %sub3A_360 = arith.subi %add3A_229, %mul3A_359 : i32
      %mul3A_361 = arith.constant 8192 : i32
      %mul3A_362 = arith.muli %sub3A_360, %mul3A_361 : i32
      %add3A_363 = arith.addi %mul3A_362, %mul3A_2 : i32
      %mul3A_364 = arith.constant 32 : i32
      %mul3A_365 = arith.muli %select_n3A_357, %mul3A_364 : i32
      %add3A_366 = arith.addi %add3A_363, %mul3A_365 : i32
      %dma_start3A_367 = arith.constant 0 : i32
      %dma_start3A_368 = arith.constant 0 : i32
      %dma_start3A_369 = tpu.memref_slice %arg5[%select_n3A_314, %dma_start3A_367, %dma_start3A_368] : memref<3x32x768xf32, #tpu.memory_space<vmem>> -> memref<1x32x768xf32, #tpu.memory_space<vmem>>
      %dma_start3A_370 = tpu.memref_squeeze %dma_start3A_369 : memref<1x32x768xf32, #tpu.memory_space<vmem>> -> memref<32x768xf32, #tpu.memory_space<vmem>>
      %dma_start3A_371 = arith.constant 0 : i32
      %dma_start3A_372 = tpu.memref_slice %arg4[%add3A_366, %dma_start3A_371] : memref<32768x768xf32, #tpu.memory_space<hbm>> -> memref<32x768xf32, #tpu.memory_space<hbm>>
      %dma_start3A_373 = arith.constant 0 : i32
      %dma_start3A_374 = tpu.memref_slice %arg4[%add3A_366, %dma_start3A_373] : memref<32768x768xf32, #tpu.memory_space<hbm>> -> memref<32x768xf32, #tpu.memory_space<hbm>>
      %dma_start3A_375 = arith.constant 0 : i32
      %dma_start3A_376 = arith.constant 0 : i32
      %dma_start3A_377 = tpu.memref_slice %arg5[%select_n3A_314, %dma_start3A_375, %dma_start3A_376] : memref<3x32x768xf32, #tpu.memory_space<vmem>> -> memref<1x32x768xf32, #tpu.memory_space<vmem>>
      %dma_start3A_378 = tpu.memref_squeeze %dma_start3A_377 : memref<1x32x768xf32, #tpu.memory_space<vmem>> -> memref<32x768xf32, #tpu.memory_space<vmem>>
      tpu.enqueue_dma source(%dma_start3A_378 : memref<32x768xf32, #tpu.memory_space<vmem>>) target(%dma_start3A_374 : memref<32x768xf32, #tpu.memory_space<hbm>>) target_semaphore(%arg9 : memref<!tpu.dma_semaphore, #tpu.memory_space<semaphore_mem>>)
    }
    %scan3A_54 = arith.constant 32 : i32
    %dma_wait3A = arith.constant 0 : i32
    %dma_wait3A_55 = arith.constant 0 : i32
    %dma_wait3A_56 = arith.constant 0 : i32
    %dma_wait3A_57 = tpu.memref_slice %arg5[%dma_wait3A, %dma_wait3A_55, %dma_wait3A_56] : memref<3x32x768xf32, #tpu.memory_space<vmem>> -> memref<1x32x768xf32, #tpu.memory_space<vmem>>
    %dma_wait3A_58 = tpu.memref_squeeze %dma_wait3A_57 : memref<1x32x768xf32, #tpu.memory_space<vmem>> -> memref<32x768xf32, #tpu.memory_space<vmem>>
    %dma_wait3A_59 = arith.constant 0 : i32
    %dma_wait3A_60 = arith.constant 0 : i32
    %dma_wait3A_61 = tpu.memref_slice %arg4[%dma_wait3A_59, %dma_wait3A_60] : memref<32768x768xf32, #tpu.memory_space<hbm>> -> memref<32x768xf32, #tpu.memory_space<hbm>>
    %dma_wait3A_62 = arith.constant 0 : i32
    %dma_wait3A_63 = arith.constant 0 : i32
    %dma_wait3A_64 = tpu.memref_slice %arg4[%dma_wait3A_62, %dma_wait3A_63] : memref<32768x768xf32, #tpu.memory_space<hbm>> -> memref<32x768xf32, #tpu.memory_space<hbm>>
    %dma_wait3A_65 = arith.constant 0 : i32
    %dma_wait3A_66 = arith.constant 0 : i32
    %dma_wait3A_67 = tpu.memref_slice %arg5[%dma_wait3A, %dma_wait3A_65, %dma_wait3A_66] : memref<3x32x768xf32, #tpu.memory_space<vmem>> -> memref<1x32x768xf32, #tpu.memory_space<vmem>>
    %dma_wait3A_68 = tpu.memref_squeeze %dma_wait3A_67 : memref<1x32x768xf32, #tpu.memory_space<vmem>> -> memref<32x768xf32, #tpu.memory_space<vmem>>
    tpu.wait_dma2 semaphore(%arg9 : memref<!tpu.dma_semaphore, #tpu.memory_space<semaphore_mem>>) src(%dma_wait3A_68 : memref<32x768xf32, #tpu.memory_space<vmem>>) dst(%dma_wait3A_64 : memref<32x768xf32, #tpu.memory_space<hbm>>)
    %dma_wait3A_69 = arith.constant 0 : i32
    %dma_wait3A_70 = arith.constant 0 : i32
    %dma_wait3A_71 = arith.constant 0 : i32
    %dma_wait3A_72 = tpu.memref_slice %arg5[%dma_wait3A_69, %dma_wait3A_70, %dma_wait3A_71] : memref<3x32x768xf32, #tpu.memory_space<vmem>> -> memref<1x32x768xf32, #tpu.memory_space<vmem>>
    %dma_wait3A_73 = tpu.memref_squeeze %dma_wait3A_72 : memref<1x32x768xf32, #tpu.memory_space<vmem>> -> memref<32x768xf32, #tpu.memory_space<vmem>>
    %dma_wait3A_74 = arith.constant 0 : i32
    %dma_wait3A_75 = arith.constant 0 : i32
    %dma_wait3A_76 = tpu.memref_slice %arg4[%dma_wait3A_74, %dma_wait3A_75] : memref<32768x768xf32, #tpu.memory_space<hbm>> -> memref<32x768xf32, #tpu.memory_space<hbm>>
    %dma_wait3A_77 = arith.constant 0 : i32
    %dma_wait3A_78 = arith.constant 0 : i32
    %dma_wait3A_79 = tpu.memref_slice %arg4[%dma_wait3A_77, %dma_wait3A_78] : memref<32768x768xf32, #tpu.memory_space<hbm>> -> memref<32x768xf32, #tpu.memory_space<hbm>>
    %dma_wait3A_80 = arith.constant 0 : i32
    %dma_wait3A_81 = arith.constant 0 : i32
    %dma_wait3A_82 = tpu.memref_slice %arg5[%dma_wait3A_69, %dma_wait3A_80, %dma_wait3A_81] : memref<3x32x768xf32, #tpu.memory_space<vmem>> -> memref<1x32x768xf32, #tpu.memory_space<vmem>>
    %dma_wait3A_83 = tpu.memref_squeeze %dma_wait3A_82 : memref<1x32x768xf32, #tpu.memory_space<vmem>> -> memref<32x768xf32, #tpu.memory_space<vmem>>
    tpu.wait_dma2 semaphore(%arg9 : memref<!tpu.dma_semaphore, #tpu.memory_space<semaphore_mem>>) src(%dma_wait3A_83 : memref<32x768xf32, #tpu.memory_space<vmem>>) dst(%dma_wait3A_79 : memref<32x768xf32, #tpu.memory_space<hbm>>)
    return
  }
}

</mosaic_0001>

<sc_bundles>
// kernel: kernel.3.cloned.1.call-start
scs
__scs_entry_jumppad:
0x0: {  	(pc) =	sbr.rel $0x88, $3  }
0x1: {  	(tag) =	ssettag $0x0;
	lr =	simm.s32 $0x1  }
0x2: {  	[smem:$0x3F9F] =	sst lr;
	_ =	strace $0xD0000000  }
0x3: {  	_ = 	snop  }
0x4: {  	_ = 	snop  }
0x5: {  	_ = 	snop  }
0x6: {  	_ = 	snop  }
0x7: {  	_ = 	snop  }
__scs_overlays_trampoline_lowered:
0x8: {  	[smem:$0x3FAE] =	sst s0  }
0x9: {  	[smem:$0x3FAF] =	sst s1  }
0xa: {  	[smem:$0x3FB0] =	sst s2  }
0xb: {  	[smem:$0x3FB1] =	sst s3  }
0xc: {  	[smem:$0x3FB2] =	sst s4  }
0xd: {  	[smem:$0x3FB3] =	sst s5  }
0xe: {  	[smem:$0x3FB4] =	sst s6  }
0xf: {  	[smem:$0x3FB5] =	sst s7  }
0x10: {  	[smem:$0x3FB6] =	sst s8  }
0x11: {  	[smem:$0x3FB7] =	sst s9;
	s0 =	simm.s32 @!p0 $0x0  }
0x12: {  	s1 =	sld [smem:$0x3F9D];
	s0 =	simm.s32 @p0 $0x1  }
0x13: {  	[smem:$0x3FB8] =	sst s0;
	s0 =	simm.s32 @!p1 $0x0  }
0x14: {  	s2 =	sld [smem:$0x3F9C];
	s0 =	simm.s32 @p1 $0x1  }
0x15: {  	[smem:$0x3FB9] =	sst s0;
	s0 =	simm.s32 @!p2 $0x0  }
0x16: {  	s3 =	sld [smem:$0x3FDB];
	s0 =	simm.s32 @p2 $0x1  }
0x17: {  	s4 =	simm.s32 $0x1BF5;
	[smem:$0x3FBB] =	sst s0  }
0x18: {  	s0 =	sld [smem:$0x3F9E];
	_ =	swait.ge [sflag:s4], $0x0  }
0x19: {  	s7 =	sld [smem:$0x3F9F]  }
0x1a: {  	s8 =	sadd.s32 $0xFFFFE003, lr  }
0x1b: {  	s9 =	sadd.s32 $0xFFFFFEF7, lr;
	s5 =	simm.s32 $0xFFFFFFFF;
	p2 =	slt.u32 s8, $0xFFFFF086  }
0x1c: {  	p1 =	slt.u32 s9, $0xF7A;
	s5 =	simm.s32 @!p2 $0x0  }
0x1d: {  	s5 =	simm.s32 @p1 $0x1;
	p0 =	seq.s32 s7, s2  }
0x1e: {  	s7 =	smul.u32 @!p0 $0xF7A, s2;
	p2 =	seq.s32 @!p0 s5, $0x0  }
0x1f: {  	s9 =	smul.u32 $0xF7A, s1;
	s8 =	simm.s32 @!p0 $0x1BF5;
	p2 =	por !p2, p0  }
0x20: {  	[sflag:s8] =	ssyncset.s32 @!p0 $0xFFFFF086;
	s6 =	sadd.s32 @!p0 s3, s7;
	s7 =	simm.s32 @!p0 $0x108  }
0x21: {  	s3 =	sadd.s32 s3, s9;
	s6 =	sadd.s32 @!p0 $0x88, s6;
	s7 =	simm.s32 @p2 $0x1082  }
0x22: {  	[simem:s7], [sflag:s8] =	dma.local @!p0 [hbm:s6], $0xF7A  }
0x23: {  	s9 =	sor.u32 $0xD0000000, s2;
	s6 =	simm.s32 $0x108;
	_ =	swait.ge @!p0 [sflag:s8], $0x0  }
0x24: {  	s3 =	sadd.s32 $0x88, s3;
	s6 =	simm.s32 @!p1 $0x1082;
	[sflag:s4] =	ssyncset.s32 $0xFFFFF086  }
0x25: {  	[simem:s6], [sflag:s4] =	dma.local [hbm:s3], $0xF7A  }
0x26: {  	[smem:$0x3F9F] =	sst s1;
	(tag) =	ssettag s2;
	_ =	strace s9  }
0x27: {  	s1 =	sld [smem:$0x3FAF]  }
0x28: {  	s2 =	sld [smem:$0x3FB0]  }
0x29: {  	s4 =	sld [smem:$0x3FB2]  }
0x2a: {  	p0 =	seq.s32 s5, $0x0;
	s5 =	sld [smem:$0x3FB3]  }
0x2b: {  	s6 =	sld [smem:$0x3FB4]  }
0x2c: {  	s7 =	sld [smem:$0x3FB5]  }
0x2d: {  	s3 =	simm.s32 $0x108;
	s8 =	sld [smem:$0x3FB6]  }
0x2e: {  	s3 =	simm.s32 @!p0 $0x1082;
	s9 =	sld [smem:$0x3FB7]  }
0x2f: {  	lr =	sadd.s32 s0, s3;
	s0 =	sld [smem:$0x3FAE]  }
0x30: {  	s3 =	sld [smem:$0x3FB1]  }
0x31: {  	[smem:$0x3FBA] =	sst s10  }
0x32: {  	s10 =	sld [smem:$0x3FB8];
	_ =	sdelay $0x3  }
0x33: {  	p0 =	seq.s32 s10, $0x1;
	s10 =	sld [smem:$0x3FBA];
	_ =	sdelay $0x3  }
0x34: {  	[smem:$0x3FBA] =	sst s10  }
0x35: {  	s10 =	sld [smem:$0x3FB9];
	_ =	sdelay $0x3  }
0x36: {  	p1 =	seq.s32 s10, $0x1;
	s10 =	sld [smem:$0x3FBA];
	_ =	sdelay $0x3  }
0x37: {  	[smem:$0x3FBA] =	sst s10  }
0x38: {  	s10 =	sld [smem:$0x3FBB]  }
0x39: {  	_ = 	snop;
	(pc) =	sbr.ind lr, $3  }
0x3a: {  	_ = 	snop  }
0x3b: {  	_ = 	snop  }
0x3c: {  	p2 =	seq.s32 s10, $0x1;
	s10 =	sld [smem:$0x3FBA]  }
0x3d: {  	_ =	shalt  }
0x3e: {  	_ =	shalt  }
0x3f: {  	_ =	shalt  }
0x40: {  	_ =	shalt  }
0x41: {  	_ =	shalt  }
0x42: {  	_ =	shalt  }
0x43: {  	_ =	shalt  }
0x44: {  	_ =	shalt  }
0x45: {  	_ =	shalt  }
0x46: {  	_ =	shalt  }
0x47: {  	_ =	shalt  }
0x48: {  	_ =	shalt  }
0x49: {  	_ =	shalt  }
0x4a: {  	_ =	shalt  }
0x4b: {  	_ =	shalt  }
0x4c: {  	_ =	shalt  }
0x4d: {  	_ =	shalt  }
0x4e: {  	_ =	shalt  }
0x4f: {  	_ =	shalt  }
0x50: {  	_ =	shalt  }
0x51: {  	_ =	shalt  }
0x52: {  	_ =	shalt  }
0x53: {  	_ =	shalt  }
0x54: {  	_ =	shalt  }
0x55: {  	_ =	shalt  }
0x56: {  	_ =	shalt  }
0x57: {  	_ =	shalt  }
0x58: {  	_ =	shalt  }
0x59: {  	_ =	shalt  }
0x5a: {  	_ =	shalt  }
0x5b: {  	_ =	shalt  }
0x5c: {  	_ =	shalt  }
0x5d: {  	_ =	shalt  }
0x5e: {  	_ =	shalt  }
0x5f: {  	_ =	shalt  }
0x60: {  	_ =	shalt  }
0x61: {  	_ =	shalt  }
0x62: {  	_ =	shalt  }
0x63: {  	_ =	shalt  }
0x64: {  	_ =	shalt  }
0x65: {  	_ =	shalt  }
0x66: {  	_ =	shalt  }
0x67: {  	_ =	shalt  }
0x68: {  	_ =	shalt  }
0x69: {  	_ =	shalt  }
0x6a: {  	_ =	shalt  }
0x6b: {  	_ =	shalt  }
0x6c: {  	_ =	shalt  }
0x6d: {  	_ =	shalt  }
0x6e: {  	_ =	shalt  }
0x6f: {  	_ =	shalt  }
0x70: {  	_ =	shalt  }
0x71: {  	_ =	shalt  }
0x72: {  	_ =	shalt  }
0x73: {  	_ =	shalt  }
0x74: {  	_ =	shalt  }
0x75: {  	_ =	shalt  }
0x76: {  	_ =	shalt  }
0x77: {  	_ =	shalt  }
0x78: {  	_ =	shalt  }
0x79: {  	_ =	shalt  }
0x7a: {  	_ =	shalt  }
0x7b: {  	_ =	shalt  }
0x7c: {  	_ =	shalt  }
0x7d: {  	_ =	shalt  }
0x7e: {  	_ =	shalt  }
0x7f: {  	_ =	shalt  }
0x80: {  	_ =	shalt  }
0x81: {  	_ =	shalt  }
0x82: {  	_ =	shalt  }
0x83: {  	_ =	shalt  }
0x84: {  	_ =	shalt  }
0x85: {  	_ =	shalt  }
0x86: {  	_ =	shalt  }
0x87: {  	_ =	shalt  }
.Lfunc_end0:
.L_simem_size_0:
called_computation_lowered:
.L_overlay_start_0:
0x88: {  	s2 =	sld [smem:$0x3FD9]  }
0x89: {  	s3 =	sld [smem:$0x3FFE];
	_ =	sdelay $0x1  }
0x8a: {  	s1 =	srdreg.scid  }
0x8b: {  	s0 =	sand.u32 $0x1, s1  }
0x8c: {  	s18 =	sshll.u32 s0, $0xA;
	s2 =	sadd.s32 s3, s2  }
0x8d: {  	s2 =	sadd.s32 s2, s18  }
0x8e: {  	[smem:$0x3FC6] =	sst s2  }
0x8f: {  	_ = 	snop  }
0x90: {  	s2 =	sld [smem:$0x3FC9]  }
0x91: {  	s19 =	sld [smem:$0x3FC8]  }
0x92: {  	s4 =	sld [smem:$0x3FD0];
	(tm) =	ssettm $0x1  }
0x93: {  	s5 =	sld [smem:$0x3FFB];
	_ =	sdelay $0x3  }
0x94: {  	_ =	strace s5  }
0x95: {  	s5 =	sld [smem:$0x3FFC];
	_ =	sdelay $0x3  }
0x96: {  	_ =	strace s5  }
0x97: {  	s5 =	sld [smem:$0x3FFD];
	_ =	sdelay $0x3  }
0x98: {  	_ =	strace s5  }
0x99: {  	_ =	strace $0x8FFFFFFF  }
0x9a: {  	s20 =	sld [smem:$0x3FDB];
	_ =	sdelay $0x1  }
0x9b: {  	s6 =	simm.s32 $_scs_section_size  }
0x9c: {  	s7 =	simm.s32 $_size__tile_overlayer_lowered;
	s8 =	simm.s32 $_tile_overlayer_lowered  }
0x9d: {  	s23 =	simm.s32 $0x1BFF;
	s22 =	sshll.u32 s8, $0x1;
	s5 =	sadd.s32 s6, s20  }
0x9e: {  	s9 =	simm.s32 $0x0;
	s21 =	sshll.u32 s7, $0x1;
	s7 =	sadd.s32 s22, s5  }
0x9f: {  	[timem:s9], [sflag:s23] =	dma.local [hbm:s7], s21  }
0xa0: {  	_ =	swait.ge [sflag:s23], s21  }
0xa1: {  	s6 =	ssub.s32 $0x0, s21;
	[sflag:s23] =	ssyncset.done $0x0  }
0xa2: {  	[sflag:s23] =	ssyncadd.s32 s6;
	_ =	sdelay $0x1  }
0xa3: {  	s24 =	simm.s32 $0x1B8B  }
0xa4: {  	_ =	swait.ge [sflag:s24], $0x1  }
0xa5: {  	[sflag:s24] =	ssyncset.done $0x0  }
0xa6: {  	s25 =	simm.s32 $0x1B8E;
	[sflag:s24] =	ssyncadd.s32 $0xFFFFFFFF  }
0xa7: {  	s26 =	simm.s32 $execute0_lowered;
	[smem:$0x3FD2] =	sst s25  }
0xa8: {  	s6 =	sshll.u32 s26, $0x1;
	_ =	strace $0x80000046;
	[dreg:$0x1] =	wrdreg $0xFFFFFFFF  }
0xa9: {  	s28 =	simm.s32 $_size_execute0_lowered;
	s5 =	sadd.s32 s5, s6;
	[dreg:$0x0] =	wrdreg $0x0  }
0xaa: {  	s6 =	sshll.u32 s28, $0x1;
	[dreg:$0x2] =	wrdreg s5  }
0xab: {  	[dreg:$0x3] =	wrdreg s6  }
0xac: {  	[dreg:$0x4] =	wrdreg $0xC0  }
0xad: {  	_ =	task [dreg:s9], $0x5FFFF  }
0xae: {  	[dreg:$0x1] =	wrdreg $0xFFFFFFFF  }
0xaf: {  	[dreg:$0x0] =	wrdreg $0x60  }
0xb0: {  	[dreg:$0x2] =	wrdreg s2  }
0xb1: {  	[dreg:$0x3] =	wrdreg s19  }
0xb2: {  	[dreg:$0x4] =	wrdreg s4  }
0xb3: {  	[dreg:$0x5] =	wrdreg $0x9  }
0xb4: {  	_ =	task.clear_ibuf [dreg:s9], $0x6FFFF;
	_ =	strace $0x90000046  }
0xb5: {  	s29 =	simm.s32 $0x9;
	_ =	strace $0x80000048  }
0xb6: {  	_ =	swait.ge [sflag:s29], $0x1  }
0xb7: {  	[sflag:s29] =	ssyncadd.s32 $0xFFFFFFFF  }
0xb8: {  	_ =	strace $0x90000048  }
0xb9: {  	_ =	sfence  }
0xba: {  	s30 =	sld [smem:$0x0];
	_ =	sdelay $0x2  }
0xbb: {  	s31 =	sshll.u32 s1, $0xD;
	s1 =	sshrl.u32 s1, $0x2  }
0xbc: {  	s3 =	sand.u32 $0x4000, s31;
	s1 =	sadd.s32 s1, s30  }
0xbd: {  	s0 =	sor.u32 s3, s0;
	s1 =	sshll.u32 s1, $0x11  }
0xbe: {  	s0 =	sor.u32 s1, s0  }
0xbf: {  	s0 =	sadd.s32 $0x8F2B, s0  }
0xc0: {  	[sflag:s0] =	ssyncadd.remote.s32 $0x1  }
0xc1: {  	_ =	sfence.sel $0xFFFF  }
0xc2: {  	[dreg:$0x0] =	wrdreg $0xFFFFFFFF;
	(pc) =	sbr.abs _section_cstart, $3  }
0xc3: {  	[dreg:$0x1] =	wrdreg $0xFFFFFFFF  }
0xc4: {  	_ =	task.clear_ibuf [dreg:s9], $0x2FFFF;
	_ =	strace $0x9FFFFFFF  }
0xc5: {  	(tm) =	ssettm $0x7FFFFFFF  }
tec
execute0_lowered:
.L_overlay_start_1:
0x0: {  	(tag) =	ssettag $0x1  }
0x1: {  	s0 =	srdreg.scid  }
0x2: {  	s1 =	rddreg [dreg:$0x0];
	s2 =	stileid.u32;
	s0 =	sand.u32 $0x1, s0  }
0x3: {  	s3 =	rddreg [dreg:$0x1];
	s2 =	sshll.u32 s2, $0x9;
	s5 =	sshll.u32 s0, $0x8  }
0x4: {  	s4 =	rddreg [dreg:$0x2];
	s0 =	ssub.s32 $0x2, s0;
	s5 =	sor.u32 s5, s2  }
0x5: {  	s6 =	simm.s32 $0x0;
	s7 =	sshrl.u32 s0, $0x1;
	s2 =	sshrl.u32 s5, $0x3  }
0x6: {  	[smem:$0x7FF] =	sst s6;
	s0 =	ssub.s32 s0, s7;
	s2 =	smul.u32 $0x300, s2  }
.Ltmp0:
0x7: {  	_ =	strace $0x80000047;
	s0 =	smax.u32 s0, $0x1;
	(pc) =	sbr.rel .LBB2_1-.Ltmp0, $4  }
0x8: {  	[dreg:$0x7] =	wrdreg s0;
	s30 =	sadd.s32 s1, s2;
	s2 =	sadd.s32 s3, s2  }
0x9: {  	s13 =	simm.s32 $0x2;
	[dreg:$0x5] =	wrdreg s2  }
0xa: {  	s14 =	simm.s32 $0x1;
	[dreg:$0x4] =	wrdreg s30;
	s31 =	sadd.s32 $0xC0000, s30  }
0xb: {  	s15 =	simm.s32 $0x3;
	s16 =	simm.s32 $0x0;
	[dreg:$0x6] =	wrdreg s31  }
.LBB2_12:
0xc: {  	_ =	swait.ge [sflag:s15], $0x6000  }
0xd: {  	[sflag:s15] =	ssyncset.done $0x0  }
0xe: {  	[sflag:s15] =	ssyncadd.s32 $0xFFFFA000  }
0xf: {  	_ =	swait.ge [sflag:s15], $0x6000  }
0x10: {  	s16 =	sadd.s32 $0x1, s16;
	s0 =	rddreg [dreg:$0x7]  }
0x11: {  	p0 =	sne.s32 s16, s0  }
.Ltmp1:
0x12: {  	_ = 	snop;
	(pc) =	sbr.rel @!p0 .LBB2_13-.Ltmp1, $3  }
0x13: {  	_ =	sdelay $0x1  }
0x14: {  	[sflag:s15] =	ssyncset.done $0x0  }
0x15: {  	[sflag:s15] =	ssyncadd.s32 $0xFFFFA000  }
.LBB2_1:
0x16: {  	s0 =	rddreg [dreg:$0x5];
	s2 =	simm.s32 $0x12000  }
0x17: {  	[tilespmem:s2], [sflag:$0x2] =	stream.linear.gather [hbm4b:s0+s6], $0x6000, $0x38;
	[tilespmem:$0x1E000] =	vst v63  }
0x18: {  	s29 =	rddreg [dreg:$0x4]  }
0x19: {  	[tilespmem:s6], [sflag:$0x1] =	stream.linear.gather [hbm4b:s29+s6], $0x6000, $0x38;
	[tilespmem:$0x1E000] =	vst v63  }
0x1a: {  	s30 =	rddreg [dreg:$0x6];
	s31 =	simm.s32 $0x6000;
	s19 =	simm.s32 $0x0  }
0x1b: {  	[tilespmem:s31], [sflag:$0x1] =	stream.linear.gather [hbm4b:s30+s6], $0x6000, $0x38;
	[tilespmem:$0x1E000] =	vst v63  }
.LBB2_2:
0x1c: {  	p0 =	seq.s32 s19, $0x0  }
0x1d: {  	p1 =	sgt.u32 @!p0 s19, $0x1D  }
0x1e: {  	p1 =	por p0, !p1  }
.Ltmp2:
0x1f: {  	_ = 	snop;
	(pc) =	sbr.rel @!p1 .LBB2_7-.Ltmp2, $4  }
0x20: {  	s0 =	simm.s32 @!p0 $0x3  }
0x21: {  	_ =	swait.ge @!p0 [sflag:s0], $0x6000  }
0x22: {  	[sflag:s0] =	ssyncset.done @!p0 $0x0  }
0x23: {  	s18 =	sshrl.u32 s19, $0x2;
	s17 =	sadd.s32 @!p0 $0x2, s19;
	[sflag:s0] =	ssyncadd.s32 @!p0 $0xFFFFA000  }
0x24: {  	s17 =	simm.s32 @p0 $0x2  }
0x25: {  	s0 =	smul.u32 $0xAB, s17;
	_ =	sdelay $0x1  }
0x26: {  	s2 =	sshrl.u32 s17, $0x2;
	s20 =	sshll.u32 s17, $0xD;
	s0 =	sshrl.u32 s0, $0x9  }
0x27: {  	s21 =	sshll.u32 s2, $0xF;
	s2 =	sshll.u32 s2, $0x5;
	s0 =	sand.u32 $0x7F, s0  }
0x28: {  	s20 =	ssub.s32 s20, s21;
	s2 =	sadd.s32 s5, s2;
	s0 =	smul.u32 $0x3, s0  }
0x29: {  	s2 =	sadd.s32 s20, s2  }
0x2a: {  	s2 =	sshrl.u32 s2, $0x3;
	s0 =	ssub.s32 s17, s0  }
0x2b: {  	s2 =	smul.u32 $0x300, s2;
	s0 =	sand.u32 $0xFF, s0  }
0x2c: {  	s0 =	smul.u32 $0x18000, s0;
	_ =	sdelay $0x1  }
0x2d: {  	s2 =	sadd.s32 s1, s2;
	s0 =	sshrl.u32 s0, $0x2  }
0x2e: {  	[tilespmem:s0], [sflag:$0x1] =	stream.linear.gather [hbm4b:s2+s6], $0x6000, $0x38;
	[tilespmem:$0x1E000] =	vst v63  }
0x2f: {  	p1 =	sgt.u32 s19, $0x1B;
	s0 =	sand.u32 $0x2, s19  }
0x30: {  	p2 =	sne.s32 @!p1 s0, $0x0  }
0x31: {  	p1 =	por p1, p2  }
.Ltmp3:
0x32: {  	_ = 	snop;
	(pc) =	sbr.rel @p1 .LBB2_5-.Ltmp3, $1  }
0x33: {  	_ =	sdelay $0x3  }
0x34: {  	s0 =	sadd.s32 $0x1, s18  }
0x35: {  	s2 =	sshll.u32 s0, $0x5  }
0x36: {  	s2 =	sadd.s32 s5, s2  }
0x37: {  	s2 =	sshrl.u32 s2, $0x3  }
0x38: {  	s0 =	sand.u32 $0x1, s0;
	s2 =	smul.u32 $0x300, s2  }
0x39: {  	p1 =	seq.s32 s0, $0x1;
	s0 =	simm.s32 $0x18000  }
0x3a: {  	s0 =	simm.s32 @!p1 $0x12000;
	s2 =	sadd.s32 s3, s2  }
0x3b: {  	[tilespmem:s0], [sflag:$0x2] =	stream.linear.gather [hbm4b:s2+s6], $0x6000, $0x38;
	[tilespmem:$0x1E000] =	vst v63  }
.LBB2_6:
0x3c: {  	_ =	swait.ge [sflag:s13], $0x6000  }
0x3d: {  	[sflag:s13] =	ssyncset.done $0x0  }
0x3e: {  	[sflag:s13] =	ssyncadd.s32 $0xFFFFA000  }
.LBB2_7:
0x3f: {  	s20 =	simm.s32 $0x0  }
0x40: {  	s2 =	sand.u32 $0x1, s18;
	s21 =	smulhi.u32 $0xAAAAAAAB, s20  }
0x41: {  	s0 =	smul.u32 $0xAB, s19;
	p1 =	seq.s32 s2, $0x1;
	s2 =	simm.s32 $0x18000  }
0x42: {  	s2 =	simm.s32 @!p1 $0x12000;
	s22 =	sshrl.u32 s21, $0xC  }
0x43: {  	_ =	swait.ge [sflag:s14], $0x6000;
	s0 =	sshrl.u32 s0, $0x9;
	v0 =	vmov s2;
	s8 =	smul.u32 $0x1800, s22  }
0x44: {  	s0 =	sand.u32 $0x7F, s0;
	s9 =	sshrl.u32 s21, $0x9;
	s21 =	sshrl.u32 s21, $0x2  }
0x45: {  	s21 =	sand.u32 $0x380, s21;
	s22 =	smul.u32 $0x1800, s9;
	s2 =	sadd.s32 $0x0, s8  }
0x46: {  	[sflag:s14] =	ssyncset.done $0x0;
	s0 =	smul.u32 $0x3, s0;
	s2 =	sadd.s32 s21, s2  }
0x47: {  	[sflag:s14] =	ssyncadd.s32 $0xFFFFA000;
	s23 =	ssub.s32 s2, s22  }
0x48: {  	s0 =	ssub.s32 s19, s0;
	v1 =	vld.idx.msk [tilespmem:v0+s23+$0x0 ss:$0x1], $0xffff;
	s24 =	sadd.s32 $0x70, s23  }
0x49: {  	s0 =	sand.u32 $0xFF, s0;
	s2 =	sadd.s32 $0x10, s23;
	v7 =	vld.idx.msk [tilespmem:v0+s24+$0x0 ss:$0x1], $0xffff  }
0x4a: {  	s0 =	smul.u32 $0x18000, s0;
	s25 =	sadd.s32 $0x20, s23;
	v2 =	vld.idx.msk [tilespmem:v0+s2+$0x0 ss:$0x1], $0xffff  }
0x4b: {  	s22 =	simm.s32 $0x0;
	s10 =	sadd.s32 $0x30, s23;
	s26 =	sadd.s32 $0x40, s23;
	v3 =	vld.idx.msk [tilespmem:v0+s25+$0x0 ss:$0x1], $0xffff  }
0x4c: {  	s11 =	sadd.s32 $0x50, s23;
	s31 =	sadd.s32 $0x60, s23;
	s21 =	sshrl.u32 s0, $0x2;
	v5 =	vld.idx.msk [tilespmem:v0+s10+$0x0 ss:$0x1], $0xffff  }
0x4d: {  	v6 =	vld.idx.msk [tilespmem:v0+s26+$0x0 ss:$0x1], $0xffff;
	s2 =	sadd.s32 s2, s21;
	s29 =	sadd.s32 s25, s21;
	s30 =	sadd.s32 s10, s21  }
0x4e: {  	v4 =	vld.idx.msk [tilespmem:v0+s11+$0x0 ss:$0x1], $0xffff;
	s28 =	sadd.s32 s26, s21;
	s25 =	sadd.s32 s11, s21;
	s12 =	sadd.s32 s24, s21  }
0x4f: {  	s24 =	sadd.s32 s23, s21;
	s26 =	sadd.s32 s31, s21;
	s23 =	simm.s32 $0x80;
	[tilespmem:s12+$0x0] =	vst.add.f32.msk $0xffff, v7  }
.LBB2_8:
0x50: {  	s0 =	smulhi.u32 $0xAAAAAAAB, s23  }
0x51: {  	s22 =	sadd.s32 $0x80, s22;
	v7 =	vld.idx.msk [tilespmem:v0+s31+$0x0 ss:$0x1], $0xffff  }
0x52: {  	p1 =	slt.u32 s22, $0x5F80;
	[tilespmem:s2+$0x0] =	vst.add.f32.msk $0xffff, v2;
	s2 =	sshrl.u32 s0, $0xC  }
0x53: {  	[tilespmem:s29+$0x0] =	vst.add.f32.msk $0xffff, v3;
	s2 =	smul.u32 $0x1800, s2  }
0x54: {  	s20 =	sadd.s32 $0x400, s20;
	s11 =	sshrl.u32 s0, $0x9;
	s0 =	sshrl.u32 s0, $0x2;
	[tilespmem:s30+$0x0] =	vst.add.f32.msk $0xffff, v5  }
0x55: {  	s0 =	sand.u32 $0x380, s0;
	s11 =	smul.u32 $0x1800, s11;
	[tilespmem:s28+$0x0] =	vst.add.f32.msk $0xffff, v6;
	s2 =	sadd.s32 s2, s20  }
0x56: {  	[tilespmem:s25+$0x0] =	vst.add.f32.msk $0xffff, v4;
	s0 =	sadd.s32 s0, s2  }
0x57: {  	[tilespmem:s26+$0x0] =	vst.add.f32.msk $0xffff, v7;
	s0 =	ssub.s32 s0, s11  }
0x58: {  	[tilespmem:s24+$0x0] =	vst.add.f32.msk $0xffff, v1;
	s2 =	sadd.s32 $0x10, s0  }
0x59: {  	v1 =	vld.idx.msk [tilespmem:v0+s0+$0x0 ss:$0x1], $0xffff;
	s11 =	sadd.s32 $0x20, s0;
	s12 =	sadd.s32 $0x70, s0;
	s26 =	sadd.s32 $0x30, s0  }
0x5a: {  	s8 =	sadd.s32 $0x40, s0;
	s9 =	sadd.s32 $0x50, s0;
	s31 =	sadd.s32 $0x60, s0;
	v7 =	vld.idx.msk [tilespmem:v0+s12+$0x0 ss:$0x1], $0xffff  }
0x5b: {  	s29 =	sadd.s32 s11, s21;
	s30 =	sadd.s32 s26, s21;
	v2 =	vld.idx.msk [tilespmem:v0+s2+$0x0 ss:$0x1], $0xffff;
	s2 =	sadd.s32 s2, s21  }
.Ltmp4:
0x5c: {  	s28 =	sadd.s32 s8, s21;
	s25 =	sadd.s32 s9, s21;
	v3 =	vld.idx.msk [tilespmem:v0+s11+$0x0 ss:$0x1], $0xffff;
	(pc) =	sbr.rel @p1 .LBB2_8-.Ltmp4, $4  }
0x5d: {  	s24 =	sadd.s32 s0, s21;
	v5 =	vld.idx.msk [tilespmem:v0+s26+$0x0 ss:$0x1], $0xffff;
	s26 =	sadd.s32 s31, s21  }
0x5e: {  	v6 =	vld.idx.msk [tilespmem:v0+s8+$0x0 ss:$0x1], $0xffff  }
0x5f: {  	s0 =	sadd.s32 s12, s21;
	v4 =	vld.idx.msk [tilespmem:v0+s9+$0x0 ss:$0x1], $0xffff  }
0x60: {  	s23 =	sadd.s32 $0x80, s23;
	[tilespmem:s0+$0x0] =	vst.add.f32.msk $0xffff, v7  }
0x61: {  	_ =	sdelay $0x3  }
0x62: {  	v7 =	vld.idx.msk [tilespmem:v0+s31+$0x0 ss:$0x1], $0xffff;
	s0 =	sshll.u32 s19, $0xD  }
0x63: {  	[tilespmem:s2+$0x0] =	vst.add.f32.msk $0xffff, v2;
	s0 =	sand.u32 $0x4000, s0  }
0x64: {  	[tilespmem:s29+$0x0] =	vst.add.f32.msk $0xffff, v3;
	s20 =	sshll.u32 s18, $0x5;
	s0 =	sor.u32 s0, s5  }
0x65: {  	[tilespmem:s24+$0x0] =	vst.add.f32.msk $0xffff, v1;
	s0 =	sor.u32 s20, s0  }
0x66: {  	[tilespmem:s30+$0x0] =	vst.add.f32.msk $0xffff, v5;
	s0 =	sshrl.u32 s0, $0x3  }
0x67: {  	[tilespmem:s28+$0x0] =	vst.add.f32.msk $0xffff, v6;
	s0 =	smul.u32 $0x300, s0  }
0x68: {  	[tilespmem:s25+$0x0] =	vst.add.f32.msk $0xffff, v4  }
0x69: {  	[tilespmem:s26+$0x0] =	vst.add.f32.msk $0xffff, v7;
	s0 =	sadd.s32 s4, s0  }
0x6a: {  	[hbm4b:s0+s6] =	stream.linear.scatter [tilespmem:s21], [sflag:$0x3], $0x6000, $0x38;
	[tilespmem:$0x1E000] =	vst v63  }
0x6b: {  	s0 =	simm.s32 @!p0 $0x3  }
0x6c: {  	p1 =	sgt.u32 @!p0 s19, $0x1C;
	_ =	swait.ge @!p0 [sflag:s0], $0x6000  }
0x6d: {  	p1 =	por p0, !p1;
	[sflag:s0] =	ssyncset.done @!p0 $0x0  }
0x6e: {  	[sflag:s0] =	ssyncadd.s32 @!p0 $0xFFFFA000;
	s0 =	sadd.s32 @p1 $0x3, s19  }
0x6f: {  	s2 =	smul.u32 @p1 $0xAB, s0;
	_ =	sdelay $0x1  }
0x70: {  	s21 =	simm.s32 $0x0;
	s2 =	sshrl.u32 @p1 s2, $0x9  }
0x71: {  	s23 =	smulhi.u32 $0xAAAAAAAB, s21;
	s2 =	sand.u32 @p1 $0x7F, s2  }
0x72: {  	s19 =	sor.u32 $0x1, s19;
	s8 =	sshrl.u32 @p1 s0, $0x2;
	s2 =	smul.u32 @p1 $0x3, s2  }
0x73: {  	s9 =	sshll.u32 @p1 s0, $0xD;
	s11 =	sshll.u32 @p1 s8, $0xF;
	s8 =	sshll.u32 @p1 s8, $0x5  }
0x74: {  	s9 =	ssub.s32 @p1 s9, s11;
	s8 =	sadd.s32 @p1 s5, s8;
	s0 =	ssub.s32 @p1 s0, s2  }
0x75: {  	s22 =	smul.u32 $0xAB, s19;
	s2 =	sadd.s32 @p1 s9, s8;
	s0 =	sand.u32 @p1 $0xFF, s0  }
0x76: {  	s2 =	sshrl.u32 @p1 s2, $0x3;
	s0 =	smul.u32 @p1 $0x18000, s0  }
0x77: {  	s24 =	sshrl.u32 s23, $0xC;
	s2 =	smul.u32 @p1 $0x300, s2  }
0x78: {  	s25 =	sshrl.u32 s23, $0x9;
	s8 =	smul.u32 $0x1800, s24  }
0x79: {  	s9 =	smul.u32 $0x1800, s25;
	s0 =	sshrl.u32 @p1 s0, $0x2;
	s2 =	sadd.s32 @p1 s1, s2  }
0x7a: {  	[tilespmem:s0], [sflag:$0x1] =	stream.linear.gather @p1 [hbm4b:s2+s6], $0x6000, $0x38;
	[tilespmem:$0x1E000] =	vst v63  }
0x7b: {  	s8 =	sadd.s32 $0x0, s8;
	s0 =	sshrl.u32 s22, $0x9;
	s2 =	sshrl.u32 s23, $0x2  }
0x7c: {  	_ =	swait.ge [sflag:s14], $0x6000;
	s0 =	sand.u32 $0x7F, s0;
	s2 =	sand.u32 $0x380, s2  }
0x7d: {  	s0 =	smul.u32 $0x3, s0;
	[sflag:s14] =	ssyncset.done $0x0;
	s2 =	sadd.s32 s2, s8  }
0x7e: {  	[sflag:s14] =	ssyncadd.s32 $0xFFFFA000;
	s8 =	ssub.s32 s2, s9  }
0x7f: {  	s0 =	ssub.s32 s19, s0;
	v1 =	vld.idx.msk [tilespmem:v0+s8+$0x0 ss:$0x1], $0xffff;
	s9 =	sadd.s32 $0x70, s8  }
0x80: {  	s2 =	sadd.s32 $0x10, s8;
	s0 =	sand.u32 $0xFF, s0;
	v7 =	vld.idx.msk [tilespmem:v0+s9+$0x0 ss:$0x1], $0xffff  }
0x81: {  	s26 =	sadd.s32 $0x20, s8;
	v2 =	vld.idx.msk [tilespmem:v0+s2+$0x0 ss:$0x1], $0xffff;
	s0 =	smul.u32 $0x18000, s0  }
0x82: {  	s24 =	simm.s32 $0x80;
	s23 =	simm.s32 $0x0;
	s12 =	sadd.s32 $0x30, s8;
	v3 =	vld.idx.msk [tilespmem:v0+s26+$0x0 ss:$0x1], $0xffff  }
0x83: {  	s7 =	sadd.s32 $0x40, s8;
	s10 =	sadd.s32 $0x50, s8;
	v5 =	vld.idx.msk [tilespmem:v0+s12+$0x0 ss:$0x1], $0xffff;
	s22 =	sshrl.u32 s0, $0x2  }
0x84: {  	v6 =	vld.idx.msk [tilespmem:v0+s7+$0x0 ss:$0x1], $0xffff;
	s0 =	sadd.s32 $0x60, s8;
	s2 =	sadd.s32 s2, s22;
	s30 =	sadd.s32 s26, s22  }
0x85: {  	v4 =	vld.idx.msk [tilespmem:v0+s10+$0x0 ss:$0x1], $0xffff;
	s31 =	sadd.s32 s12, s22;
	s29 =	sadd.s32 s7, s22;
	s9 =	sadd.s32 s9, s22  }
0x86: {  	s26 =	sadd.s32 s10, s22;
	s25 =	sadd.s32 s8, s22;
	s28 =	sadd.s32 s0, s22;
	[tilespmem:s9+$0x0] =	vst.add.f32.msk $0xffff, v7  }
.LBB2_10:
0x87: {  	s8 =	smulhi.u32 $0xAAAAAAAB, s24  }
0x88: {  	s23 =	sadd.s32 $0x80, s23;
	v7 =	vld.idx.msk [tilespmem:v0+s0+$0x0 ss:$0x1], $0xffff  }
0x89: {  	p0 =	slt.u32 s23, $0x5F80;
	[tilespmem:s2+$0x0] =	vst.add.f32.msk $0xffff, v2;
	s0 =	sshrl.u32 s8, $0xC  }
0x8a: {  	[tilespmem:s30+$0x0] =	vst.add.f32.msk $0xffff, v3;
	s0 =	smul.u32 $0x1800, s0  }
0x8b: {  	s21 =	sadd.s32 $0x400, s21;
	s2 =	sshrl.u32 s8, $0x9;
	s8 =	sshrl.u32 s8, $0x2;
	[tilespmem:s31+$0x0] =	vst.add.f32.msk $0xffff, v5  }
0x8c: {  	s8 =	sand.u32 $0x380, s8;
	s2 =	smul.u32 $0x1800, s2;
	[tilespmem:s29+$0x0] =	vst.add.f32.msk $0xffff, v6;
	s0 =	sadd.s32 s0, s21  }
0x8d: {  	[tilespmem:s26+$0x0] =	vst.add.f32.msk $0xffff, v4;
	s0 =	sadd.s32 s8, s0  }
0x8e: {  	[tilespmem:s28+$0x0] =	vst.add.f32.msk $0xffff, v7;
	s8 =	ssub.s32 s0, s2  }
0x8f: {  	[tilespmem:s25+$0x0] =	vst.add.f32.msk $0xffff, v1;
	s0 =	sadd.s32 $0x10, s8  }
0x90: {  	v1 =	vld.idx.msk [tilespmem:v0+s8+$0x0 ss:$0x1], $0xffff;
	s9 =	sadd.s32 $0x20, s8;
	s11 =	sadd.s32 $0x70, s8;
	s12 =	sadd.s32 $0x30, s8  }
0x91: {  	s10 =	sadd.s32 $0x40, s8;
	s7 =	sadd.s32 $0x50, s8;
	v7 =	vld.idx.msk [tilespmem:v0+s11+$0x0 ss:$0x1], $0xffff;
	s2 =	sadd.s32 s0, s22  }
0x92: {  	s30 =	sadd.s32 s9, s22;
	s31 =	sadd.s32 s12, s22;
	v2 =	vld.idx.msk [tilespmem:v0+s0+$0x0 ss:$0x1], $0xffff;
	s0 =	sadd.s32 $0x60, s8  }
.Ltmp5:
0x93: {  	s29 =	sadd.s32 s10, s22;
	s26 =	sadd.s32 s7, s22;
	v3 =	vld.idx.msk [tilespmem:v0+s9+$0x0 ss:$0x1], $0xffff;
	(pc) =	sbr.rel @p0 .LBB2_10-.Ltmp5, $4  }
0x94: {  	s25 =	sadd.s32 s8, s22;
	s28 =	sadd.s32 s0, s22;
	v5 =	vld.idx.msk [tilespmem:v0+s12+$0x0 ss:$0x1], $0xffff  }
0x95: {  	v6 =	vld.idx.msk [tilespmem:v0+s10+$0x0 ss:$0x1], $0xffff  }
0x96: {  	v4 =	vld.idx.msk [tilespmem:v0+s7+$0x0 ss:$0x1], $0xffff;
	s7 =	sadd.s32 s11, s22  }
0x97: {  	s24 =	sadd.s32 $0x80, s24;
	[tilespmem:s7+$0x0] =	vst.add.f32.msk $0xffff, v7  }
0x98: {  	_ =	sdelay $0x2  }
0x99: {  	s24 =	sshll.u32 s19, $0xD;
	s7 =	sshll.u32 s18, $0xF  }
0x9a: {  	v0 =	vld.idx.msk [tilespmem:v0+s0+$0x0 ss:$0x1], $0xffff;
	s0 =	ssub.s32 s24, s7  }
0x9b: {  	s0 =	sor.u32 s20, s0  }
0x9c: {  	[tilespmem:s2+$0x0] =	vst.add.f32.msk $0xffff, v2;
	s0 =	sor.u32 s5, s0  }
0x9d: {  	[tilespmem:s30+$0x0] =	vst.add.f32.msk $0xffff, v3;
	s0 =	sshrl.u32 s0, $0x3  }
0x9e: {  	[tilespmem:s25+$0x0] =	vst.add.f32.msk $0xffff, v1;
	p0 =	slt.u32 s17, $0x20;
	s0 =	smul.u32 $0x300, s0  }
.Ltmp6:
0x9f: {  	[tilespmem:s31+$0x0] =	vst.add.f32.msk $0xffff, v5;
	(pc) =	sbr.rel @p0 .LBB2_2-.Ltmp6, $4  }
.Ltmp7:
0xa0: {  	[tilespmem:s29+$0x0] =	vst.add.f32.msk $0xffff, v6;
	(pc) =	sbr.rel @!p0 .LBB2_12-.Ltmp7, $4  }
0xa1: {  	[tilespmem:s26+$0x0] =	vst.add.f32.msk $0xffff, v4  }
0xa2: {  	s19 =	smov.u32 s17;
	[tilespmem:s28+$0x0] =	vst.add.f32.msk $0xffff, v0;
	s0 =	sadd.s32 s4, s0  }
0xa3: {  	[hbm4b:s0+s6] =	stream.linear.scatter [tilespmem:s22], [sflag:$0x3], $0x6000, $0x38;
	[tilespmem:$0x1E000] =	vst v63  }
0xa4: {  	_ = 	snop  }
.LBB2_5:
0xa5: {  	p1 =	sne.s32 s0, $0x0  }
.Ltmp8:
0xa6: {  	_ = 	snop;
	(pc) =	sbr.rel @p1 .LBB2_7-.Ltmp8, $4  }
.Ltmp9:
0xa7: {  	_ = 	snop;
	(pc) =	sbr.rel @!p1 .LBB2_6-.Ltmp9, $4  }
0xa8: {  	_ = 	snop  }
0xa9: {  	_ = 	snop  }
0xaa: {  	_ = 	snop  }
0xab: {  	_ = 	snop  }
.LBB2_13:
0xac: {  	_ =	sfence.sel $0x180000  }
0xad: {  	[bflag:$0x0] =	sbarrier.arrive $0xFFFF  }
0xae: {  	_ =	strace $0x90000047  }
0xaf: {  	s0 =	stileid.u32;
	[bflag:$0x2] =	sbarrier.arrive $0xFFFF  }
0xb0: {  	p0 =	sne.s32 s0, $0x0;
	s0 =	rddreg [dreg:$0x3]  }
0xb1: {  	s0 =	sadd.s32 @!p0 $0x100000, s0  }
0xb2: {  	[sflag:s0] =	ssyncadd.tile.s32 @!p0 $0x1;
	_ =	shalt  }
.Lfunc_end2:
_tile_overlayer_lowered:
.L_overlay_start_2:
0xb3: {  	(tag) =	ssettag $0x2  }
0xb4: {  	s0 =	rddreg [dreg:$0x0];
	s2 =	stileid.u32  }
0xb5: {  	s1 =	rddreg [dreg:$0x1];
	p0 =	sne.s32 s2, $0x0  }
0xb6: {  	s3 =	rddreg [dreg:$0x2];
	[bflag:$0x3] =	sbarrier.arrive $0xFFFF;
	s2 =	simm.s32 @!p0 $0x1C04  }
0xb7: {  	[timem:s3], [sflag:s2] =	dma.local @!p0 [hbm:s0], s1  }
0xb8: {  	s0 =	simm.s32 @!p0 $0x4  }
0xb9: {  	_ =	swait.ge @!p0 [sflag:s0], s1  }
0xba: {  	s1 =	ssub.s32 @!p0 $0x0, s1;
	[sflag:s0] =	ssyncset.done @!p0 $0x0  }
0xbb: {  	[sflag:s0] =	ssyncadd.s32 @!p0 s1  }
0xbc: {  	[bflag:$0x3] =	sbarrier.arrive $0xFFFF  }
0xbd: {  	_ =	shalt  }

</sc_bundles>
